<compile_context>
chip_gen: v7x
topology: tpu7x:2x2x1
jax: 0.10.2.dev20260603
libtpu: 0.0.44.dev20260713+nightly
codegen_flags: <defaults>
</compile_context>

<pallas_src>
import functools
import math

import jax
import jax.numpy as jnp
from jax import lax
from jax.experimental import pallas as pl
from jax.experimental.pallas import tpu as pltpu, tpu_sc as plsc

MU_CONST = 3.5
HLEN = 200
D = 32
L = 16
N_TABLE = 1000000
TAIL_START = (N_TABLE // 128) * 128
LAST_BLOCK = TAIL_START - 128
N_TAIL = N_TABLE - TAIL_START
N_YJW = 16
PER_W = 13


def _col_lookup(tblT_hbm, blk_slot, idx, sem):
  blkoff = pl.multiple_of(lax.shift_left(lax.shift_right_logical(idx, 7), 7), 128)
  h = pltpu.async_copy(tblT_hbm.at[:, pl.ds(blkoff, 128)], blk_slot, sem)
  col = jnp.bitwise_and(idx, 127)
  return h, col


def _extract(blk_ref, slot, col, iota):
  colv = jnp.full((L,), col, jnp.int32)
  slotv = jnp.full((L,), slot, jnp.int32)
  lo = plsc.load_gather(blk_ref, [slotv, iota, colv])
  hi = plsc.load_gather(blk_ref, [slotv, iota + 16, colv])
  return lo, hi


def _sc_body(uidx_hbm, iidx_hbm, iu_hbm, uembT_hbm, iembT_hbm, ub_hbm, ib_hbm,
             yjT_hbm, w_hbm, b_hbm, out_hbm,
             iu_v, q_v, blk_v, bias_v, part_v, w_v, b_v,
             shared, gath_v, res_v, sem, sem_idx, sem_w, sem_bias):
  cid = lax.axis_index("c")
  sid = lax.axis_index("s")

  @pl.when(cid == 0)
  def _():
    iota = lax.iota(jnp.int32, L)
    zf = jnp.zeros((L,), jnp.float32)

    @pl.when(sid < N_YJW)
    def _():
      base = sid * PER_W
      c0 = pltpu.async_copy(iu_hbm, iu_v, sem_idx)
      c0.wait()
      gidx = jnp.minimum(jnp.full((L,), base, jnp.int32) + iota, HLEN - 1)
      vec = plsc.load_gather(iu_v, [gidx])
      handles, cols = [], []
      for k in range(PER_W):
        h, col = _col_lookup(yjT_hbm, blk_v.at[k], vec[k], sem)
        handles.append(h)
        cols.append(col)
      for h in handles:
        h.wait()
      acc0, acc1 = zf, zf
      for k in range(PER_W):
        lo, hi = _extract(blk_v, k, cols[k], iota)
        valid = (base + k) < HLEN
        acc0 = acc0 + jnp.where(valid, lo, zf)
        acc1 = acc1 + jnp.where(valid, hi, zf)
      part_v[0, pl.ds(L, L)] = acc0
      part_v[0, pl.ds(2 * L, L)] = acc1
      pltpu.sync_copy(part_v, shared.at[pl.ds(sid, 1)])

    def row_work(idx_hbm, tblT_hbm, bias_hbm, row_slot, bias_slot):
      c0 = pltpu.async_copy(idx_hbm, q_v.at[pl.ds(0, 1)], sem_idx)
      c0.wait()
      u = q_v[...][0]
      h, col = _col_lookup(tblT_hbm, blk_v.at[13], u, sem)
      boff = pl.multiple_of(lax.shift_left(lax.shift_right_logical(u, 4), 4), 16)
      hb = pltpu.async_copy(bias_hbm.at[pl.ds(boff, L)], bias_v, sem_bias)
      h.wait(); hb.wait()
      lo, hi = _extract(blk_v, 13, col, iota)
      part_v[0, pl.ds(L, L)] = lo
      part_v[0, pl.ds(2 * L, L)] = hi
      pltpu.sync_copy(part_v, shared.at[pl.ds(row_slot, 1)])
      lane = jnp.bitwise_and(u, 15)
      sel = jnp.where(iota == lane, bias_v[...], zf)
      part_v[0, pl.ds(L, L)] = sel
      part_v[0, pl.ds(2 * L, L)] = zf
      pltpu.sync_copy(part_v, shared.at[pl.ds(bias_slot, 1)])

    @pl.when(sid == 14)
    def _():
      row_work(uidx_hbm, uembT_hbm, ub_hbm, 17, 19)

    @pl.when(sid == 15)
    def _():
      row_work(iidx_hbm, iembT_hbm, ib_hbm, 18, 20)

    plsc.subcore_barrier()

    @pl.when(sid == 0)
    def _():
      cw = pltpu.async_copy(w_hbm, w_v, sem_w)
      cb = pltpu.async_copy(b_hbm, b_v.at[pl.ds(0, 1)], sem_bias)
      pltpu.sync_copy(shared, gath_v)
      s0, s1 = zf, zf
      for r in range(N_YJW):
        s0 = s0 + gath_v[r, pl.ds(L, L)]
        s1 = s1 + gath_v[r, pl.ds(2 * L, L)]
      cw.wait(); cb.wait()
      inv = jnp.float32(1.0 / math.sqrt(HLEN))
      uv0 = gath_v[17, pl.ds(L, L)] + s0 * inv
      uv1 = gath_v[17, pl.ds(2 * L, L)] + s1 * inv
      p = uv0 * gath_v[18, pl.ds(L, L)] * w_v[0, pl.ds(0, L)] \
          + uv1 * gath_v[18, pl.ds(2 * L, L)] * w_v[0, pl.ds(L, L)]
      dot = jnp.sum(p)
      ubias = jnp.sum(gath_v[19, pl.ds(L, L)])
      ibias = jnp.sum(gath_v[20, pl.ds(L, L)])
      bval = b_v[...][0]
      rating = dot + bval + jnp.float32(MU_CONST) + ubias + ibias
      res_v[...] = jnp.full((L,), rating, jnp.float32)
      pltpu.sync_copy(res_v, out_hbm)


@functools.partial(
    pl.kernel,
    out_type=jax.ShapeDtypeStruct((L,), jnp.float32),
    mesh=plsc.VectorSubcoreMesh(core_axis_name="c", subcore_axis_name="s", num_cores=1),
    compiler_params=pltpu.CompilerParams(use_tc_tiling_on_sc=True,
                                         needs_layout_passes=False),
    scratch_types=[
        pltpu.VMEM((HLEN,), jnp.int32),
        pltpu.VMEM((L,), jnp.int32),
        pltpu.VMEM((14, D, 128), jnp.float32),
        pltpu.VMEM((L,), jnp.float32),
        pltpu.VMEM((1, 2 * D), jnp.float32),
        pltpu.VMEM((1, D), jnp.float32),
        pltpu.VMEM((L,), jnp.float32),
        pltpu.VMEM_SHARED((21, 2 * D), jnp.float32),
        pltpu.VMEM((21, 2 * D), jnp.float32),
        pltpu.VMEM((L,), jnp.float32),
        pltpu.SemaphoreType.DMA,
        pltpu.SemaphoreType.DMA,
        pltpu.SemaphoreType.DMA,
        pltpu.SemaphoreType.DMA,
    ],
)
def _svdpp_sc(*refs):
  _sc_body(*refs)


def kernel(user_idx, item_idx, Iu, user_embedding, item_embedding, user_bias,
           item_bias, yj, W, b):
  out = _svdpp_sc(user_idx, item_idx, Iu,
                  user_embedding.T, item_embedding.T, user_bias, item_bias,
                  yj.T, W, b)
  return out[:1].reshape(1, 1)

# --- scband reference (transcript-rebuilt; emitter-appended) ---
"""Pipeline reference for scband-svdpp-recommender-49108656062664 (READ-ONLY COPY).

The authoritative reference and input builder live on the scoring server;
editing this copy changes nothing except your own understanding.
"""

import jax, jax.numpy as jnp
import numpy as np

NUM_USERS = 1000000
NUM_ITEMS = 1000000
LATENT_DIM = 32
MU = 3.5
HIST_LEN = 200

def setup_inputs(seed: int = 0) -> dict:
    key = jax.random.key(seed)
    ks = jax.random.split(key, 10)
    user_idx = jax.random.randint(ks[0], (1,), 0, NUM_USERS, dtype=jnp.int64 if jax.config.jax_enable_x64 else jnp.int32).astype(jnp.int32)
    item_idx = jax.random.randint(ks[1], (1,), 0, NUM_ITEMS).astype(jnp.int32)
    Iu = jax.random.randint(ks[2], (HIST_LEN,), 0, NUM_ITEMS).astype(jnp.int32)
    user_embedding = jax.random.normal(ks[3], (NUM_USERS, LATENT_DIM), dtype=jnp.float32)
    item_embedding = jax.random.normal(ks[4], (NUM_ITEMS, LATENT_DIM), dtype=jnp.float32)
    user_bias = jnp.zeros((NUM_USERS,), dtype=jnp.float32)
    item_bias = jnp.zeros((NUM_ITEMS,), dtype=jnp.float32)
    yj = jax.random.normal(ks[5], (NUM_ITEMS, LATENT_DIM), dtype=jnp.float32)
    lim = 1.0 / np.sqrt(LATENT_DIM)
    W = jax.random.uniform(ks[6], (1, LATENT_DIM), minval=-lim, maxval=lim, dtype=jnp.float32)
    b = jax.random.uniform(ks[7], (1,), minval=-lim, maxval=lim, dtype=jnp.float32)
    return {"user_idx": user_idx, "item_idx": item_idx, "Iu": Iu,
            "user_embedding": user_embedding, "item_embedding": item_embedding,
            "user_bias": user_bias, "item_bias": item_bias, "yj": yj, "W": W, "b": b}

def reference(user_idx, item_idx, Iu, user_embedding, item_embedding, user_bias, item_bias, yj, W, b):
    user_vec = jnp.take(user_embedding, user_idx, axis=0)  # [1, d]
    # sum of implicit-feedback item factors, normalized by sqrt(|Iu|)
    u_impl_fdb = jnp.sum(jnp.take(yj, Iu, axis=0), axis=0)  # [d]
    u_impl_fdb = u_impl_fdb / jnp.sqrt(jnp.float32(Iu.shape[0]))
    user_vec = user_vec + u_impl_fdb  # broadcast [1, d]
    item_vec = jnp.take(item_embedding, item_idx, axis=0)  # [1, d]
    dot = jnp.dot(user_vec * item_vec, W.T) + b  # [1, 1]
    rating = dot + MU + jnp.take(user_bias, user_idx) + jnp.take(item_bias, item_idx)
    return rating

if __name__ == "__main__":
    import jax
    _d = setup_inputs()
    print(jax.jit(kernel)(*tuple(_d.values())))

</pallas_src>

<mosaic_0001>
#map = affine_map<(d0, d1) -> (0)>
#map1 = affine_map<(d0, d1) -> (0, 0)>
module attributes {stable_mosaic.version = 14 : i64} {
  func.func @_svdpp_sc(%arg0: i32, %arg1: i32, %arg2: memref<1xi32, #tpu.memory_space<hbm>>, %arg3: memref<1xi32, #tpu.memory_space<hbm>>, %arg4: memref<200xi32, #tpu.memory_space<hbm>>, %arg5: memref<32x1000000xf32, #tpu.memory_space<hbm>>, %arg6: memref<32x1000000xf32, #tpu.memory_space<hbm>>, %arg7: memref<1000000xf32, #tpu.memory_space<hbm>>, %arg8: memref<1000000xf32, #tpu.memory_space<hbm>>, %arg9: memref<32x1000000xf32, #tpu.memory_space<hbm>>, %arg10: memref<1x32xf32, #tpu.memory_space<hbm>>, %arg11: memref<1xf32, #tpu.memory_space<hbm>>, %arg12: memref<16xf32, #tpu.memory_space<hbm>>, %arg13: memref<200xi32, #tpu.memory_space<vmem>>, %arg14: memref<16xi32, #tpu.memory_space<vmem>>, %arg15: memref<14x32x128xf32, #tpu.memory_space<vmem>>, %arg16: memref<16xf32, #tpu.memory_space<vmem>>, %arg17: memref<1x64xf32, #tpu.memory_space<vmem>>, %arg18: memref<1x32xf32, #tpu.memory_space<vmem>>, %arg19: memref<16xf32, #tpu.memory_space<vmem>>, %arg20: memref<21x64xf32, #tpu.memory_space<vmem_shared>>, %arg21: memref<21x64xf32, #tpu.memory_space<vmem>>, %arg22: memref<16xf32, #tpu.memory_space<vmem>>, %arg23: memref<!tpu.dma_semaphore, #tpu.memory_space<semaphore_mem>>, %arg24: memref<!tpu.dma_semaphore, #tpu.memory_space<semaphore_mem>>, %arg25: memref<!tpu.dma_semaphore, #tpu.memory_space<semaphore_mem>>, %arg26: memref<!tpu.dma_semaphore, #tpu.memory_space<semaphore_mem>>) attributes {dimension_semantics = [#tpu.dimension_semantics<core_parallel>, #tpu.dimension_semantics<subcore_parallel>], iteration_bounds = array<i64: 1, 16>, scalar_prefetch = 0 : i64, scratch_operands = 14 : i64, tpu.core_type = #tpu.core_type<sc_vector_subcore>, window_params = [{transform_indices = #map}, {transform_indices = #map}, {transform_indices = #map}, {transform_indices = #map1}, {transform_indices = #map1}, {transform_indices = #map}, {transform_indices = #map}, {transform_indices = #map1}, {transform_indices = #map1}, {transform_indices = #map}, {transform_indices = #map}]} {
    %eq3A = arith.constant 0 : i32
    %eq3A_0 = arith.cmpi eq, %arg0, %eq3A : i32
    %convert_element_type3A = arith.extui %eq3A_0 : i1 to i32
    %cond3A = arith.constant 0 : i32
    %cond3A_1 = arith.cmpi ne, %convert_element_type3A, %cond3A : i32
    scf.if %cond3A_1 {
      %iota3A = tpu.iota {dimensions = array<i32: 0>} : vector<16xi32>
      %broadcast_in_dim3A = arith.constant 0.000000e+00 : f32
      %broadcast_in_dim3A_2 = vector.broadcast %broadcast_in_dim3A : f32 to vector<16xf32>
      %lt3A = arith.constant 16 : i32
      %lt3A_3 = arith.cmpi slt, %arg1, %lt3A : i32
      %convert_element_type3A_4 = arith.extui %lt3A_3 : i1 to i32
      %cond3A_5 = arith.constant 0 : i32
      %cond3A_6 = arith.cmpi ne, %convert_element_type3A_4, %cond3A_5 : i32
      scf.if %cond3A_6 {
        %mul3A = arith.constant 13 : i32
        %mul3A_22 = arith.muli %arg1, %mul3A : i32
        tpu.enqueue_dma source(%arg4 : memref<200xi32, #tpu.memory_space<hbm>>) target(%arg13 : memref<200xi32, #tpu.memory_space<vmem>>) target_semaphore(%arg24 : memref<!tpu.dma_semaphore, #tpu.memory_space<semaphore_mem>>)
        tpu.wait_dma2 semaphore(%arg24 : memref<!tpu.dma_semaphore, #tpu.memory_space<semaphore_mem>>) src(%arg4 : memref<200xi32, #tpu.memory_space<hbm>>) dst(%arg13 : memref<200xi32, #tpu.memory_space<vmem>>)
        %broadcast_in_dim3A_23 = vector.broadcast %mul3A_22 : i32 to vector<16xi32>
        %add3A = arith.addi %broadcast_in_dim3A_23, %iota3A : vector<16xi32>
        %min3A = arith.constant 199 : i32
        %min3A_24 = vector.broadcast %min3A : i32 to vector<16xi32>
        %min3A_25 = arith.minsi %add3A, %min3A_24 : vector<16xi32>
        %gather3A = tpu.vector_load_idx %arg13[%min3A_25] : memref<200xi32, #tpu.memory_space<vmem>>[vector<16xi32>], vector<16xi32>,
        %slice3A = vector.extract_strided_slice %gather3A {offsets = [0], sizes = [1], strides = [1]} : vector<16xi32> to vector<1xi32>
        %squeeze3A = vector.extract %slice3A[0] : i32 from vector<1xi32>
        %shift_right_logical3A = arith.constant 7 : i32
        %shift_right_logical3A_26 = arith.shrui %squeeze3A, %shift_right_logical3A : i32
        %shift_left3A = arith.constant 7 : i32
        %shift_left3A_27 = arith.shli %shift_right_logical3A_26, %shift_left3A : i32
        %multiple_of3A = tpu.assume_multiple %shift_left3A_27, 128 : i32
        %dma_start3A = arith.constant 0 : i32
        %dma_start3A_28 = arith.constant 0 : i32
        %dma_start3A_29 = arith.constant 0 : i32
        %dma_start3A_30 = tpu.memref_slice %arg15[%dma_start3A, %dma_start3A_28, %dma_start3A_29] : memref<14x32x128xf32, #tpu.memory_space<vmem>> -> memref<1x32x128xf32, #tpu.memory_space<vmem>>
        %dma_start3A_31 = tpu.memref_squeeze %dma_start3A_30 : memref<1x32x128xf32, #tpu.memory_space<vmem>> -> memref<32x128xf32, #tpu.memory_space<vmem>>
        %dma_start3A_32 = arith.constant 0 : i32
        %dma_start3A_33 = tpu.memref_slice %arg9[%dma_start3A_32, %multiple_of3A] : memref<32x1000000xf32, #tpu.memory_space<hbm>> -> memref<32x128xf32, #tpu.memory_space<hbm>>
        %dma_start3A_34 = arith.constant 0 : i32
        %dma_start3A_35 = arith.constant 0 : i32
        %dma_start3A_36 = tpu.memref_slice %arg15[%dma_start3A, %dma_start3A_34, %dma_start3A_35] : memref<14x32x128xf32, #tpu.memory_space<vmem>> -> memref<1x32x128xf32, #tpu.memory_space<vmem>>
        %dma_start3A_37 = tpu.memref_squeeze %dma_start3A_36 : memref<1x32x128xf32, #tpu.memory_space<vmem>> -> memref<32x128xf32, #tpu.memory_space<vmem>>
        %dma_start3A_38 = arith.constant 0 : i32
        %dma_start3A_39 = tpu.memref_slice %arg9[%dma_start3A_38, %multiple_of3A] : memref<32x1000000xf32, #tpu.memory_space<hbm>> -> memref<32x128xf32, #tpu.memory_space<hbm>>
        tpu.enqueue_dma source(%dma_start3A_39 : memref<32x128xf32, #tpu.memory_space<hbm>>) target(%dma_start3A_37 : memref<32x128xf32, #tpu.memory_space<vmem>>) target_semaphore(%arg23 : memref<!tpu.dma_semaphore, #tpu.memory_space<semaphore_mem>>)
        %and3A = arith.constant 127 : i32
        %and3A_40 = arith.andi %squeeze3A, %and3A : i32
        %slice3A_41 = vector.extract_strided_slice %gather3A {offsets = [1], sizes = [1], strides = [1]} : vector<16xi32> to vector<1xi32>
        %squeeze3A_42 = vector.extract %slice3A_41[0] : i32 from vector<1xi32>
        %shift_right_logical3A_43 = arith.constant 7 : i32
        %shift_right_logical3A_44 = arith.shrui %squeeze3A_42, %shift_right_logical3A_43 : i32
        %shift_left3A_45 = arith.constant 7 : i32
        %shift_left3A_46 = arith.shli %shift_right_logical3A_44, %shift_left3A_45 : i32
        %multiple_of3A_47 = tpu.assume_multiple %shift_left3A_46, 128 : i32
        %dma_start3A_48 = arith.constant 1 : i32
        %dma_start3A_49 = arith.constant 0 : i32
        %dma_start3A_50 = arith.constant 0 : i32
        %dma_start3A_51 = tpu.memref_slice %arg15[%dma_start3A_48, %dma_start3A_49, %dma_start3A_50] : memref<14x32x128xf32, #tpu.memory_space<vmem>> -> memref<1x32x128xf32, #tpu.memory_space<vmem>>
        %dma_start3A_52 = tpu.memref_squeeze %dma_start3A_51 : memref<1x32x128xf32, #tpu.memory_space<vmem>> -> memref<32x128xf32, #tpu.memory_space<vmem>>
        %dma_start3A_53 = arith.constant 0 : i32
        %dma_start3A_54 = tpu.memref_slice %arg9[%dma_start3A_53, %multiple_of3A_47] : memref<32x1000000xf32, #tpu.memory_space<hbm>> -> memref<32x128xf32, #tpu.memory_space<hbm>>
        %dma_start3A_55 = arith.constant 0 : i32
        %dma_start3A_56 = arith.constant 0 : i32
        %dma_start3A_57 = tpu.memref_slice %arg15[%dma_start3A_48, %dma_start3A_55, %dma_start3A_56] : memref<14x32x128xf32, #tpu.memory_space<vmem>> -> memref<1x32x128xf32, #tpu.memory_space<vmem>>
        %dma_start3A_58 = tpu.memref_squeeze %dma_start3A_57 : memref<1x32x128xf32, #tpu.memory_space<vmem>> -> memref<32x128xf32, #tpu.memory_space<vmem>>
        %dma_start3A_59 = arith.constant 0 : i32
        %dma_start3A_60 = tpu.memref_slice %arg9[%dma_start3A_59, %multiple_of3A_47] : memref<32x1000000xf32, #tpu.memory_space<hbm>> -> memref<32x128xf32, #tpu.memory_space<hbm>>
        tpu.enqueue_dma source(%dma_start3A_60 : memref<32x128xf32, #tpu.memory_space<hbm>>) target(%dma_start3A_58 : memref<32x128xf32, #tpu.memory_space<vmem>>) target_semaphore(%arg23 : memref<!tpu.dma_semaphore, #tpu.memory_space<semaphore_mem>>)
        %and3A_61 = arith.constant 127 : i32
        %and3A_62 = arith.andi %squeeze3A_42, %and3A_61 : i32
        %slice3A_63 = vector.extract_strided_slice %gather3A {offsets = [2], sizes = [1], strides = [1]} : vector<16xi32> to vector<1xi32>
        %squeeze3A_64 = vector.extract %slice3A_63[0] : i32 from vector<1xi32>
        %shift_right_logical3A_65 = arith.constant 7 : i32
        %shift_right_logical3A_66 = arith.shrui %squeeze3A_64, %shift_right_logical3A_65 : i32
        %shift_left3A_67 = arith.constant 7 : i32
        %shift_left3A_68 = arith.shli %shift_right_logical3A_66, %shift_left3A_67 : i32
        %multiple_of3A_69 = tpu.assume_multiple %shift_left3A_68, 128 : i32
        %dma_start3A_70 = arith.constant 2 : i32
        %dma_start3A_71 = arith.constant 0 : i32
        %dma_start3A_72 = arith.constant 0 : i32
        %dma_start3A_73 = tpu.memref_slice %arg15[%dma_start3A_70, %dma_start3A_71, %dma_start3A_72] : memref<14x32x128xf32, #tpu.memory_space<vmem>> -> memref<1x32x128xf32, #tpu.memory_space<vmem>>
        %dma_start3A_74 = tpu.memref_squeeze %dma_start3A_73 : memref<1x32x128xf32, #tpu.memory_space<vmem>> -> memref<32x128xf32, #tpu.memory_space<vmem>>
        %dma_start3A_75 = arith.constant 0 : i32
        %dma_start3A_76 = tpu.memref_slice %arg9[%dma_start3A_75, %multiple_of3A_69] : memref<32x1000000xf32, #tpu.memory_space<hbm>> -> memref<32x128xf32, #tpu.memory_space<hbm>>
        %dma_start3A_77 = arith.constant 0 : i32
        %dma_start3A_78 = arith.constant 0 : i32
        %dma_start3A_79 = tpu.memref_slice %arg15[%dma_start3A_70, %dma_start3A_77, %dma_start3A_78] : memref<14x32x128xf32, #tpu.memory_space<vmem>> -> memref<1x32x128xf32, #tpu.memory_space<vmem>>
        %dma_start3A_80 = tpu.memref_squeeze %dma_start3A_79 : memref<1x32x128xf32, #tpu.memory_space<vmem>> -> memref<32x128xf32, #tpu.memory_space<vmem>>
        %dma_start3A_81 = arith.constant 0 : i32
        %dma_start3A_82 = tpu.memref_slice %arg9[%dma_start3A_81, %multiple_of3A_69] : memref<32x1000000xf32, #tpu.memory_space<hbm>> -> memref<32x128xf32, #tpu.memory_space<hbm>>
        tpu.enqueue_dma source(%dma_start3A_82 : memref<32x128xf32, #tpu.memory_space<hbm>>) target(%dma_start3A_80 : memref<32x128xf32, #tpu.memory_space<vmem>>) target_semaphore(%arg23 : memref<!tpu.dma_semaphore, #tpu.memory_space<semaphore_mem>>)
        %and3A_83 = arith.constant 127 : i32
        %and3A_84 = arith.andi %squeeze3A_64, %and3A_83 : i32
        %slice3A_85 = vector.extract_strided_slice %gather3A {offsets = [3], sizes = [1], strides = [1]} : vector<16xi32> to vector<1xi32>
        %squeeze3A_86 = vector.extract %slice3A_85[0] : i32 from vector<1xi32>
        %shift_right_logical3A_87 = arith.constant 7 : i32
        %shift_right_logical3A_88 = arith.shrui %squeeze3A_86, %shift_right_logical3A_87 : i32
        %shift_left3A_89 = arith.constant 7 : i32
        %shift_left3A_90 = arith.shli %shift_right_logical3A_88, %shift_left3A_89 : i32
        %multiple_of3A_91 = tpu.assume_multiple %shift_left3A_90, 128 : i32
        %dma_start3A_92 = arith.constant 3 : i32
        %dma_start3A_93 = arith.constant 0 : i32
        %dma_start3A_94 = arith.constant 0 : i32
        %dma_start3A_95 = tpu.memref_slice %arg15[%dma_start3A_92, %dma_start3A_93, %dma_start3A_94] : memref<14x32x128xf32, #tpu.memory_space<vmem>> -> memref<1x32x128xf32, #tpu.memory_space<vmem>>
        %dma_start3A_96 = tpu.memref_squeeze %dma_start3A_95 : memref<1x32x128xf32, #tpu.memory_space<vmem>> -> memref<32x128xf32, #tpu.memory_space<vmem>>
        %dma_start3A_97 = arith.constant 0 : i32
        %dma_start3A_98 = tpu.memref_slice %arg9[%dma_start3A_97, %multiple_of3A_91] : memref<32x1000000xf32, #tpu.memory_space<hbm>> -> memref<32x128xf32, #tpu.memory_space<hbm>>
        %dma_start3A_99 = arith.constant 0 : i32
        %dma_start3A_100 = arith.constant 0 : i32
        %dma_start3A_101 = tpu.memref_slice %arg15[%dma_start3A_92, %dma_start3A_99, %dma_start3A_100] : memref<14x32x128xf32, #tpu.memory_space<vmem>> -> memref<1x32x128xf32, #tpu.memory_space<vmem>>
        %dma_start3A_102 = tpu.memref_squeeze %dma_start3A_101 : memref<1x32x128xf32, #tpu.memory_space<vmem>> -> memref<32x128xf32, #tpu.memory_space<vmem>>
        %dma_start3A_103 = arith.constant 0 : i32
        %dma_start3A_104 = tpu.memref_slice %arg9[%dma_start3A_103, %multiple_of3A_91] : memref<32x1000000xf32, #tpu.memory_space<hbm>> -> memref<32x128xf32, #tpu.memory_space<hbm>>
        tpu.enqueue_dma source(%dma_start3A_104 : memref<32x128xf32, #tpu.memory_space<hbm>>) target(%dma_start3A_102 : memref<32x128xf32, #tpu.memory_space<vmem>>) target_semaphore(%arg23 : memref<!tpu.dma_semaphore, #tpu.memory_space<semaphore_mem>>)
        %and3A_105 = arith.constant 127 : i32
        %and3A_106 = arith.andi %squeeze3A_86, %and3A_105 : i32
        %slice3A_107 = vector.extract_strided_slice %gather3A {offsets = [4], sizes = [1], strides = [1]} : vector<16xi32> to vector<1xi32>
        %squeeze3A_108 = vector.extract %slice3A_107[0] : i32 from vector<1xi32>
        %shift_right_logical3A_109 = arith.constant 7 : i32
        %shift_right_logical3A_110 = arith.shrui %squeeze3A_108, %shift_right_logical3A_109 : i32
        %shift_left3A_111 = arith.constant 7 : i32
        %shift_left3A_112 = arith.shli %shift_right_logical3A_110, %shift_left3A_111 : i32
        %multiple_of3A_113 = tpu.assume_multiple %shift_left3A_112, 128 : i32
        %dma_start3A_114 = arith.constant 4 : i32
        %dma_start3A_115 = arith.constant 0 : i32
        %dma_start3A_116 = arith.constant 0 : i32
        %dma_start3A_117 = tpu.memref_slice %arg15[%dma_start3A_114, %dma_start3A_115, %dma_start3A_116] : memref<14x32x128xf32, #tpu.memory_space<vmem>> -> memref<1x32x128xf32, #tpu.memory_space<vmem>>
        %dma_start3A_118 = tpu.memref_squeeze %dma_start3A_117 : memref<1x32x128xf32, #tpu.memory_space<vmem>> -> memref<32x128xf32, #tpu.memory_space<vmem>>
        %dma_start3A_119 = arith.constant 0 : i32
        %dma_start3A_120 = tpu.memref_slice %arg9[%dma_start3A_119, %multiple_of3A_113] : memref<32x1000000xf32, #tpu.memory_space<hbm>> -> memref<32x128xf32, #tpu.memory_space<hbm>>
        %dma_start3A_121 = arith.constant 0 : i32
        %dma_start3A_122 = arith.constant 0 : i32
        %dma_start3A_123 = tpu.memref_slice %arg15[%dma_start3A_114, %dma_start3A_121, %dma_start3A_122] : memref<14x32x128xf32, #tpu.memory_space<vmem>> -> memref<1x32x128xf32, #tpu.memory_space<vmem>>
        %dma_start3A_124 = tpu.memref_squeeze %dma_start3A_123 : memref<1x32x128xf32, #tpu.memory_space<vmem>> -> memref<32x128xf32, #tpu.memory_space<vmem>>
        %dma_start3A_125 = arith.constant 0 : i32
        %dma_start3A_126 = tpu.memref_slice %arg9[%dma_start3A_125, %multiple_of3A_113] : memref<32x1000000xf32, #tpu.memory_space<hbm>> -> memref<32x128xf32, #tpu.memory_space<hbm>>
        tpu.enqueue_dma source(%dma_start3A_126 : memref<32x128xf32, #tpu.memory_space<hbm>>) target(%dma_start3A_124 : memref<32x128xf32, #tpu.memory_space<vmem>>) target_semaphore(%arg23 : memref<!tpu.dma_semaphore, #tpu.memory_space<semaphore_mem>>)
        %and3A_127 = arith.constant 127 : i32
        %and3A_128 = arith.andi %squeeze3A_108, %and3A_127 : i32
        %slice3A_129 = vector.extract_strided_slice %gather3A {offsets = [5], sizes = [1], strides = [1]} : vector<16xi32> to vector<1xi32>
        %squeeze3A_130 = vector.extract %slice3A_129[0] : i32 from vector<1xi32>
        %shift_right_logical3A_131 = arith.constant 7 : i32
        %shift_right_logical3A_132 = arith.shrui %squeeze3A_130, %shift_right_logical3A_131 : i32
        %shift_left3A_133 = arith.constant 7 : i32
        %shift_left3A_134 = arith.shli %shift_right_logical3A_132, %shift_left3A_133 : i32
        %multiple_of3A_135 = tpu.assume_multiple %shift_left3A_134, 128 : i32
        %dma_start3A_136 = arith.constant 5 : i32
        %dma_start3A_137 = arith.constant 0 : i32
        %dma_start3A_138 = arith.constant 0 : i32
        %dma_start3A_139 = tpu.memref_slice %arg15[%dma_start3A_136, %dma_start3A_137, %dma_start3A_138] : memref<14x32x128xf32, #tpu.memory_space<vmem>> -> memref<1x32x128xf32, #tpu.memory_space<vmem>>
        %dma_start3A_140 = tpu.memref_squeeze %dma_start3A_139 : memref<1x32x128xf32, #tpu.memory_space<vmem>> -> memref<32x128xf32, #tpu.memory_space<vmem>>
        %dma_start3A_141 = arith.constant 0 : i32
        %dma_start3A_142 = tpu.memref_slice %arg9[%dma_start3A_141, %multiple_of3A_135] : memref<32x1000000xf32, #tpu.memory_space<hbm>> -> memref<32x128xf32, #tpu.memory_space<hbm>>
        %dma_start3A_143 = arith.constant 0 : i32
        %dma_start3A_144 = arith.constant 0 : i32
        %dma_start3A_145 = tpu.memref_slice %arg15[%dma_start3A_136, %dma_start3A_143, %dma_start3A_144] : memref<14x32x128xf32, #tpu.memory_space<vmem>> -> memref<1x32x128xf32, #tpu.memory_space<vmem>>
        %dma_start3A_146 = tpu.memref_squeeze %dma_start3A_145 : memref<1x32x128xf32, #tpu.memory_space<vmem>> -> memref<32x128xf32, #tpu.memory_space<vmem>>
        %dma_start3A_147 = arith.constant 0 : i32
        %dma_start3A_148 = tpu.memref_slice %arg9[%dma_start3A_147, %multiple_of3A_135] : memref<32x1000000xf32, #tpu.memory_space<hbm>> -> memref<32x128xf32, #tpu.memory_space<hbm>>
        tpu.enqueue_dma source(%dma_start3A_148 : memref<32x128xf32, #tpu.memory_space<hbm>>) target(%dma_start3A_146 : memref<32x128xf32, #tpu.memory_space<vmem>>) target_semaphore(%arg23 : memref<!tpu.dma_semaphore, #tpu.memory_space<semaphore_mem>>)
        %and3A_149 = arith.constant 127 : i32
        %and3A_150 = arith.andi %squeeze3A_130, %and3A_149 : i32
        %slice3A_151 = vector.extract_strided_slice %gather3A {offsets = [6], sizes = [1], strides = [1]} : vector<16xi32> to vector<1xi32>
        %squeeze3A_152 = vector.extract %slice3A_151[0] : i32 from vector<1xi32>
        %shift_right_logical3A_153 = arith.constant 7 : i32
        %shift_right_logical3A_154 = arith.shrui %squeeze3A_152, %shift_right_logical3A_153 : i32
        %shift_left3A_155 = arith.constant 7 : i32
        %shift_left3A_156 = arith.shli %shift_right_logical3A_154, %shift_left3A_155 : i32
        %multiple_of3A_157 = tpu.assume_multiple %shift_left3A_156, 128 : i32
        %dma_start3A_158 = arith.constant 6 : i32
        %dma_start3A_159 = arith.constant 0 : i32
        %dma_start3A_160 = arith.constant 0 : i32
        %dma_start3A_161 = tpu.memref_slice %arg15[%dma_start3A_158, %dma_start3A_159, %dma_start3A_160] : memref<14x32x128xf32, #tpu.memory_space<vmem>> -> memref<1x32x128xf32, #tpu.memory_space<vmem>>
        %dma_start3A_162 = tpu.memref_squeeze %dma_start3A_161 : memref<1x32x128xf32, #tpu.memory_space<vmem>> -> memref<32x128xf32, #tpu.memory_space<vmem>>
        %dma_start3A_163 = arith.constant 0 : i32
        %dma_start3A_164 = tpu.memref_slice %arg9[%dma_start3A_163, %multiple_of3A_157] : memref<32x1000000xf32, #tpu.memory_space<hbm>> -> memref<32x128xf32, #tpu.memory_space<hbm>>
        %dma_start3A_165 = arith.constant 0 : i32
        %dma_start3A_166 = arith.constant 0 : i32
        %dma_start3A_167 = tpu.memref_slice %arg15[%dma_start3A_158, %dma_start3A_165, %dma_start3A_166] : memref<14x32x128xf32, #tpu.memory_space<vmem>> -> memref<1x32x128xf32, #tpu.memory_space<vmem>>
        %dma_start3A_168 = tpu.memref_squeeze %dma_start3A_167 : memref<1x32x128xf32, #tpu.memory_space<vmem>> -> memref<32x128xf32, #tpu.memory_space<vmem>>
        %dma_start3A_169 = arith.constant 0 : i32
        %dma_start3A_170 = tpu.memref_slice %arg9[%dma_start3A_169, %multiple_of3A_157] : memref<32x1000000xf32, #tpu.memory_space<hbm>> -> memref<32x128xf32, #tpu.memory_space<hbm>>
        tpu.enqueue_dma source(%dma_start3A_170 : memref<32x128xf32, #tpu.memory_space<hbm>>) target(%dma_start3A_168 : memref<32x128xf32, #tpu.memory_space<vmem>>) target_semaphore(%arg23 : memref<!tpu.dma_semaphore, #tpu.memory_space<semaphore_mem>>)
        %and3A_171 = arith.constant 127 : i32
        %and3A_172 = arith.andi %squeeze3A_152, %and3A_171 : i32
        %slice3A_173 = vector.extract_strided_slice %gather3A {offsets = [7], sizes = [1], strides = [1]} : vector<16xi32> to vector<1xi32>
        %squeeze3A_174 = vector.extract %slice3A_173[0] : i32 from vector<1xi32>
        %shift_right_logical3A_175 = arith.constant 7 : i32
        %shift_right_logical3A_176 = arith.shrui %squeeze3A_174, %shift_right_logical3A_175 : i32
        %shift_left3A_177 = arith.constant 7 : i32
        %shift_left3A_178 = arith.shli %shift_right_logical3A_176, %shift_left3A_177 : i32
        %multiple_of3A_179 = tpu.assume_multiple %shift_left3A_178, 128 : i32
        %dma_start3A_180 = arith.constant 7 : i32
        %dma_start3A_181 = arith.constant 0 : i32
        %dma_start3A_182 = arith.constant 0 : i32
        %dma_start3A_183 = tpu.memref_slice %arg15[%dma_start3A_180, %dma_start3A_181, %dma_start3A_182] : memref<14x32x128xf32, #tpu.memory_space<vmem>> -> memref<1x32x128xf32, #tpu.memory_space<vmem>>
        %dma_start3A_184 = tpu.memref_squeeze %dma_start3A_183 : memref<1x32x128xf32, #tpu.memory_space<vmem>> -> memref<32x128xf32, #tpu.memory_space<vmem>>
        %dma_start3A_185 = arith.constant 0 : i32
        %dma_start3A_186 = tpu.memref_slice %arg9[%dma_start3A_185, %multiple_of3A_179] : memref<32x1000000xf32, #tpu.memory_space<hbm>> -> memref<32x128xf32, #tpu.memory_space<hbm>>
        %dma_start3A_187 = arith.constant 0 : i32
        %dma_start3A_188 = arith.constant 0 : i32
        %dma_start3A_189 = tpu.memref_slice %arg15[%dma_start3A_180, %dma_start3A_187, %dma_start3A_188] : memref<14x32x128xf32, #tpu.memory_space<vmem>> -> memref<1x32x128xf32, #tpu.memory_space<vmem>>
        %dma_start3A_190 = tpu.memref_squeeze %dma_start3A_189 : memref<1x32x128xf32, #tpu.memory_space<vmem>> -> memref<32x128xf32, #tpu.memory_space<vmem>>
        %dma_start3A_191 = arith.constant 0 : i32
        %dma_start3A_192 = tpu.memref_slice %arg9[%dma_start3A_191, %multiple_of3A_179] : memref<32x1000000xf32, #tpu.memory_space<hbm>> -> memref<32x128xf32, #tpu.memory_space<hbm>>
        tpu.enqueue_dma source(%dma_start3A_192 : memref<32x128xf32, #tpu.memory_space<hbm>>) target(%dma_start3A_190 : memref<32x128xf32, #tpu.memory_space<vmem>>) target_semaphore(%arg23 : memref<!tpu.dma_semaphore, #tpu.memory_space<semaphore_mem>>)
        %and3A_193 = arith.constant 127 : i32
        %and3A_194 = arith.andi %squeeze3A_174, %and3A_193 : i32
        %slice3A_195 = vector.extract_strided_slice %gather3A {offsets = [8], sizes = [1], strides = [1]} : vector<16xi32> to vector<1xi32>
        %squeeze3A_196 = vector.extract %slice3A_195[0] : i32 from vector<1xi32>
        %shift_right_logical3A_197 = arith.constant 7 : i32
        %shift_right_logical3A_198 = arith.shrui %squeeze3A_196, %shift_right_logical3A_197 : i32
        %shift_left3A_199 = arith.constant 7 : i32
        %shift_left3A_200 = arith.shli %shift_right_logical3A_198, %shift_left3A_199 : i32
        %multiple_of3A_201 = tpu.assume_multiple %shift_left3A_200, 128 : i32
        %dma_start3A_202 = arith.constant 8 : i32
        %dma_start3A_203 = arith.constant 0 : i32
        %dma_start3A_204 = arith.constant 0 : i32
        %dma_start3A_205 = tpu.memref_slice %arg15[%dma_start3A_202, %dma_start3A_203, %dma_start3A_204] : memref<14x32x128xf32, #tpu.memory_space<vmem>> -> memref<1x32x128xf32, #tpu.memory_space<vmem>>
        %dma_start3A_206 = tpu.memref_squeeze %dma_start3A_205 : memref<1x32x128xf32, #tpu.memory_space<vmem>> -> memref<32x128xf32, #tpu.memory_space<vmem>>
        %dma_start3A_207 = arith.constant 0 : i32
        %dma_start3A_208 = tpu.memref_slice %arg9[%dma_start3A_207, %multiple_of3A_201] : memref<32x1000000xf32, #tpu.memory_space<hbm>> -> memref<32x128xf32, #tpu.memory_space<hbm>>
        %dma_start3A_209 = arith.constant 0 : i32
        %dma_start3A_210 = arith.constant 0 : i32
        %dma_start3A_211 = tpu.memref_slice %arg15[%dma_start3A_202, %dma_start3A_209, %dma_start3A_210] : memref<14x32x128xf32, #tpu.memory_space<vmem>> -> memref<1x32x128xf32, #tpu.memory_space<vmem>>
        %dma_start3A_212 = tpu.memref_squeeze %dma_start3A_211 : memref<1x32x128xf32, #tpu.memory_space<vmem>> -> memref<32x128xf32, #tpu.memory_space<vmem>>
        %dma_start3A_213 = arith.constant 0 : i32
        %dma_start3A_214 = tpu.memref_slice %arg9[%dma_start3A_213, %multiple_of3A_201] : memref<32x1000000xf32, #tpu.memory_space<hbm>> -> memref<32x128xf32, #tpu.memory_space<hbm>>
        tpu.enqueue_dma source(%dma_start3A_214 : memref<32x128xf32, #tpu.memory_space<hbm>>) target(%dma_start3A_212 : memref<32x128xf32, #tpu.memory_space<vmem>>) target_semaphore(%arg23 : memref<!tpu.dma_semaphore, #tpu.memory_space<semaphore_mem>>)
        %and3A_215 = arith.constant 127 : i32
        %and3A_216 = arith.andi %squeeze3A_196, %and3A_215 : i32
        %slice3A_217 = vector.extract_strided_slice %gather3A {offsets = [9], sizes = [1], strides = [1]} : vector<16xi32> to vector<1xi32>
        %squeeze3A_218 = vector.extract %slice3A_217[0] : i32 from vector<1xi32>
        %shift_right_logical3A_219 = arith.constant 7 : i32
        %shift_right_logical3A_220 = arith.shrui %squeeze3A_218, %shift_right_logical3A_219 : i32
        %shift_left3A_221 = arith.constant 7 : i32
        %shift_left3A_222 = arith.shli %shift_right_logical3A_220, %shift_left3A_221 : i32
        %multiple_of3A_223 = tpu.assume_multiple %shift_left3A_222, 128 : i32
        %dma_start3A_224 = arith.constant 9 : i32
        %dma_start3A_225 = arith.constant 0 : i32
        %dma_start3A_226 = arith.constant 0 : i32
        %dma_start3A_227 = tpu.memref_slice %arg15[%dma_start3A_224, %dma_start3A_225, %dma_start3A_226] : memref<14x32x128xf32, #tpu.memory_space<vmem>> -> memref<1x32x128xf32, #tpu.memory_space<vmem>>
        %dma_start3A_228 = tpu.memref_squeeze %dma_start3A_227 : memref<1x32x128xf32, #tpu.memory_space<vmem>> -> memref<32x128xf32, #tpu.memory_space<vmem>>
        %dma_start3A_229 = arith.constant 0 : i32
        %dma_start3A_230 = tpu.memref_slice %arg9[%dma_start3A_229, %multiple_of3A_223] : memref<32x1000000xf32, #tpu.memory_space<hbm>> -> memref<32x128xf32, #tpu.memory_space<hbm>>
        %dma_start3A_231 = arith.constant 0 : i32
        %dma_start3A_232 = arith.constant 0 : i32
        %dma_start3A_233 = tpu.memref_slice %arg15[%dma_start3A_224, %dma_start3A_231, %dma_start3A_232] : memref<14x32x128xf32, #tpu.memory_space<vmem>> -> memref<1x32x128xf32, #tpu.memory_space<vmem>>
        %dma_start3A_234 = tpu.memref_squeeze %dma_start3A_233 : memref<1x32x128xf32, #tpu.memory_space<vmem>> -> memref<32x128xf32, #tpu.memory_space<vmem>>
        %dma_start3A_235 = arith.constant 0 : i32
        %dma_start3A_236 = tpu.memref_slice %arg9[%dma_start3A_235, %multiple_of3A_223] : memref<32x1000000xf32, #tpu.memory_space<hbm>> -> memref<32x128xf32, #tpu.memory_space<hbm>>
        tpu.enqueue_dma source(%dma_start3A_236 : memref<32x128xf32, #tpu.memory_space<hbm>>) target(%dma_start3A_234 : memref<32x128xf32, #tpu.memory_space<vmem>>) target_semaphore(%arg23 : memref<!tpu.dma_semaphore, #tpu.memory_space<semaphore_mem>>)
        %and3A_237 = arith.constant 127 : i32
        %and3A_238 = arith.andi %squeeze3A_218, %and3A_237 : i32
        %slice3A_239 = vector.extract_strided_slice %gather3A {offsets = [10], sizes = [1], strides = [1]} : vector<16xi32> to vector<1xi32>
        %squeeze3A_240 = vector.extract %slice3A_239[0] : i32 from vector<1xi32>
        %shift_right_logical3A_241 = arith.constant 7 : i32
        %shift_right_logical3A_242 = arith.shrui %squeeze3A_240, %shift_right_logical3A_241 : i32
        %shift_left3A_243 = arith.constant 7 : i32
        %shift_left3A_244 = arith.shli %shift_right_logical3A_242, %shift_left3A_243 : i32
        %multiple_of3A_245 = tpu.assume_multiple %shift_left3A_244, 128 : i32
        %dma_start3A_246 = arith.constant 10 : i32
        %dma_start3A_247 = arith.constant 0 : i32
        %dma_start3A_248 = arith.constant 0 : i32
        %dma_start3A_249 = tpu.memref_slice %arg15[%dma_start3A_246, %dma_start3A_247, %dma_start3A_248] : memref<14x32x128xf32, #tpu.memory_space<vmem>> -> memref<1x32x128xf32, #tpu.memory_space<vmem>>
        %dma_start3A_250 = tpu.memref_squeeze %dma_start3A_249 : memref<1x32x128xf32, #tpu.memory_space<vmem>> -> memref<32x128xf32, #tpu.memory_space<vmem>>
        %dma_start3A_251 = arith.constant 0 : i32
        %dma_start3A_252 = tpu.memref_slice %arg9[%dma_start3A_251, %multiple_of3A_245] : memref<32x1000000xf32, #tpu.memory_space<hbm>> -> memref<32x128xf32, #tpu.memory_space<hbm>>
        %dma_start3A_253 = arith.constant 0 : i32
        %dma_start3A_254 = arith.constant 0 : i32
        %dma_start3A_255 = tpu.memref_slice %arg15[%dma_start3A_246, %dma_start3A_253, %dma_start3A_254] : memref<14x32x128xf32, #tpu.memory_space<vmem>> -> memref<1x32x128xf32, #tpu.memory_space<vmem>>
        %dma_start3A_256 = tpu.memref_squeeze %dma_start3A_255 : memref<1x32x128xf32, #tpu.memory_space<vmem>> -> memref<32x128xf32, #tpu.memory_space<vmem>>
        %dma_start3A_257 = arith.constant 0 : i32
        %dma_start3A_258 = tpu.memref_slice %arg9[%dma_start3A_257, %multiple_of3A_245] : memref<32x1000000xf32, #tpu.memory_space<hbm>> -> memref<32x128xf32, #tpu.memory_space<hbm>>
        tpu.enqueue_dma source(%dma_start3A_258 : memref<32x128xf32, #tpu.memory_space<hbm>>) target(%dma_start3A_256 : memref<32x128xf32, #tpu.memory_space<vmem>>) target_semaphore(%arg23 : memref<!tpu.dma_semaphore, #tpu.memory_space<semaphore_mem>>)
        %and3A_259 = arith.constant 127 : i32
        %and3A_260 = arith.andi %squeeze3A_240, %and3A_259 : i32
        %slice3A_261 = vector.extract_strided_slice %gather3A {offsets = [11], sizes = [1], strides = [1]} : vector<16xi32> to vector<1xi32>
        %squeeze3A_262 = vector.extract %slice3A_261[0] : i32 from vector<1xi32>
        %shift_right_logical3A_263 = arith.constant 7 : i32
        %shift_right_logical3A_264 = arith.shrui %squeeze3A_262, %shift_right_logical3A_263 : i32
        %shift_left3A_265 = arith.constant 7 : i32
        %shift_left3A_266 = arith.shli %shift_right_logical3A_264, %shift_left3A_265 : i32
        %multiple_of3A_267 = tpu.assume_multiple %shift_left3A_266, 128 : i32
        %dma_start3A_268 = arith.constant 11 : i32
        %dma_start3A_269 = arith.constant 0 : i32
        %dma_start3A_270 = arith.constant 0 : i32
        %dma_start3A_271 = tpu.memref_slice %arg15[%dma_start3A_268, %dma_start3A_269, %dma_start3A_270] : memref<14x32x128xf32, #tpu.memory_space<vmem>> -> memref<1x32x128xf32, #tpu.memory_space<vmem>>
        %dma_start3A_272 = tpu.memref_squeeze %dma_start3A_271 : memref<1x32x128xf32, #tpu.memory_space<vmem>> -> memref<32x128xf32, #tpu.memory_space<vmem>>
        %dma_start3A_273 = arith.constant 0 : i32
        %dma_start3A_274 = tpu.memref_slice %arg9[%dma_start3A_273, %multiple_of3A_267] : memref<32x1000000xf32, #tpu.memory_space<hbm>> -> memref<32x128xf32, #tpu.memory_space<hbm>>
        %dma_start3A_275 = arith.constant 0 : i32
        %dma_start3A_276 = arith.constant 0 : i32
        %dma_start3A_277 = tpu.memref_slice %arg15[%dma_start3A_268, %dma_start3A_275, %dma_start3A_276] : memref<14x32x128xf32, #tpu.memory_space<vmem>> -> memref<1x32x128xf32, #tpu.memory_space<vmem>>
        %dma_start3A_278 = tpu.memref_squeeze %dma_start3A_277 : memref<1x32x128xf32, #tpu.memory_space<vmem>> -> memref<32x128xf32, #tpu.memory_space<vmem>>
        %dma_start3A_279 = arith.constant 0 : i32
        %dma_start3A_280 = tpu.memref_slice %arg9[%dma_start3A_279, %multiple_of3A_267] : memref<32x1000000xf32, #tpu.memory_space<hbm>> -> memref<32x128xf32, #tpu.memory_space<hbm>>
        tpu.enqueue_dma source(%dma_start3A_280 : memref<32x128xf32, #tpu.memory_space<hbm>>) target(%dma_start3A_278 : memref<32x128xf32, #tpu.memory_space<vmem>>) target_semaphore(%arg23 : memref<!tpu.dma_semaphore, #tpu.memory_space<semaphore_mem>>)
        %and3A_281 = arith.constant 127 : i32
        %and3A_282 = arith.andi %squeeze3A_262, %and3A_281 : i32
        %slice3A_283 = vector.extract_strided_slice %gather3A {offsets = [12], sizes = [1], strides = [1]} : vector<16xi32> to vector<1xi32>
        %squeeze3A_284 = vector.extract %slice3A_283[0] : i32 from vector<1xi32>
        %shift_right_logical3A_285 = arith.constant 7 : i32
        %shift_right_logical3A_286 = arith.shrui %squeeze3A_284, %shift_right_logical3A_285 : i32
        %shift_left3A_287 = arith.constant 7 : i32
        %shift_left3A_288 = arith.shli %shift_right_logical3A_286, %shift_left3A_287 : i32
        %multiple_of3A_289 = tpu.assume_multiple %shift_left3A_288, 128 : i32
        %dma_start3A_290 = arith.constant 12 : i32
        %dma_start3A_291 = arith.constant 0 : i32
        %dma_start3A_292 = arith.constant 0 : i32
        %dma_start3A_293 = tpu.memref_slice %arg15[%dma_start3A_290, %dma_start3A_291, %dma_start3A_292] : memref<14x32x128xf32, #tpu.memory_space<vmem>> -> memref<1x32x128xf32, #tpu.memory_space<vmem>>
        %dma_start3A_294 = tpu.memref_squeeze %dma_start3A_293 : memref<1x32x128xf32, #tpu.memory_space<vmem>> -> memref<32x128xf32, #tpu.memory_space<vmem>>
        %dma_start3A_295 = arith.constant 0 : i32
        %dma_start3A_296 = tpu.memref_slice %arg9[%dma_start3A_295, %multiple_of3A_289] : memref<32x1000000xf32, #tpu.memory_space<hbm>> -> memref<32x128xf32, #tpu.memory_space<hbm>>
        %dma_start3A_297 = arith.constant 0 : i32
        %dma_start3A_298 = arith.constant 0 : i32
        %dma_start3A_299 = tpu.memref_slice %arg15[%dma_start3A_290, %dma_start3A_297, %dma_start3A_298] : memref<14x32x128xf32, #tpu.memory_space<vmem>> -> memref<1x32x128xf32, #tpu.memory_space<vmem>>
        %dma_start3A_300 = tpu.memref_squeeze %dma_start3A_299 : memref<1x32x128xf32, #tpu.memory_space<vmem>> -> memref<32x128xf32, #tpu.memory_space<vmem>>
        %dma_start3A_301 = arith.constant 0 : i32
        %dma_start3A_302 = tpu.memref_slice %arg9[%dma_start3A_301, %multiple_of3A_289] : memref<32x1000000xf32, #tpu.memory_space<hbm>> -> memref<32x128xf32, #tpu.memory_space<hbm>>
        tpu.enqueue_dma source(%dma_start3A_302 : memref<32x128xf32, #tpu.memory_space<hbm>>) target(%dma_start3A_300 : memref<32x128xf32, #tpu.memory_space<vmem>>) target_semaphore(%arg23 : memref<!tpu.dma_semaphore, #tpu.memory_space<semaphore_mem>>)
        %and3A_303 = arith.constant 127 : i32
        %and3A_304 = arith.andi %squeeze3A_284, %and3A_303 : i32
        %dma_wait3A = arith.constant 0 : i32
        %dma_wait3A_305 = arith.constant 0 : i32
        %dma_wait3A_306 = arith.constant 0 : i32
        %dma_wait3A_307 = tpu.memref_slice %arg15[%dma_wait3A, %dma_wait3A_305, %dma_wait3A_306] : memref<14x32x128xf32, #tpu.memory_space<vmem>> -> memref<1x32x128xf32, #tpu.memory_space<vmem>>
        %dma_wait3A_308 = tpu.memref_squeeze %dma_wait3A_307 : memref<1x32x128xf32, #tpu.memory_space<vmem>> -> memref<32x128xf32, #tpu.memory_space<vmem>>
        %dma_wait3A_309 = arith.constant 0 : i32
        %dma_wait3A_310 = tpu.memref_slice %arg9[%dma_wait3A_309, %multiple_of3A] : memref<32x1000000xf32, #tpu.memory_space<hbm>> -> memref<32x128xf32, #tpu.memory_space<hbm>>
        %dma_wait3A_311 = arith.constant 0 : i32
        %dma_wait3A_312 = arith.constant 0 : i32
        %dma_wait3A_313 = tpu.memref_slice %arg15[%dma_wait3A, %dma_wait3A_311, %dma_wait3A_312] : memref<14x32x128xf32, #tpu.memory_space<vmem>> -> memref<1x32x128xf32, #tpu.memory_space<vmem>>
        %dma_wait3A_314 = tpu.memref_squeeze %dma_wait3A_313 : memref<1x32x128xf32, #tpu.memory_space<vmem>> -> memref<32x128xf32, #tpu.memory_space<vmem>>
        %dma_wait3A_315 = arith.constant 0 : i32
        %dma_wait3A_316 = tpu.memref_slice %arg9[%dma_wait3A_315, %multiple_of3A] : memref<32x1000000xf32, #tpu.memory_space<hbm>> -> memref<32x128xf32, #tpu.memory_space<hbm>>
        tpu.wait_dma2 semaphore(%arg23 : memref<!tpu.dma_semaphore, #tpu.memory_space<semaphore_mem>>) src(%dma_wait3A_316 : memref<32x128xf32, #tpu.memory_space<hbm>>) dst(%dma_wait3A_314 : memref<32x128xf32, #tpu.memory_space<vmem>>)
        %dma_wait3A_317 = arith.constant 1 : i32
        %dma_wait3A_318 = arith.constant 0 : i32
        %dma_wait3A_319 = arith.constant 0 : i32
        %dma_wait3A_320 = tpu.memref_slice %arg15[%dma_wait3A_317, %dma_wait3A_318, %dma_wait3A_319] : memref<14x32x128xf32, #tpu.memory_space<vmem>> -> memref<1x32x128xf32, #tpu.memory_space<vmem>>
        %dma_wait3A_321 = tpu.memref_squeeze %dma_wait3A_320 : memref<1x32x128xf32, #tpu.memory_space<vmem>> -> memref<32x128xf32, #tpu.memory_space<vmem>>
        %dma_wait3A_322 = arith.constant 0 : i32
        %dma_wait3A_323 = tpu.memref_slice %arg9[%dma_wait3A_322, %multiple_of3A_47] : memref<32x1000000xf32, #tpu.memory_space<hbm>> -> memref<32x128xf32, #tpu.memory_space<hbm>>
        %dma_wait3A_324 = arith.constant 0 : i32
        %dma_wait3A_325 = arith.constant 0 : i32
        %dma_wait3A_326 = tpu.memref_slice %arg15[%dma_wait3A_317, %dma_wait3A_324, %dma_wait3A_325] : memref<14x32x128xf32, #tpu.memory_space<vmem>> -> memref<1x32x128xf32, #tpu.memory_space<vmem>>
        %dma_wait3A_327 = tpu.memref_squeeze %dma_wait3A_326 : memref<1x32x128xf32, #tpu.memory_space<vmem>> -> memref<32x128xf32, #tpu.memory_space<vmem>>
        %dma_wait3A_328 = arith.constant 0 : i32
        %dma_wait3A_329 = tpu.memref_slice %arg9[%dma_wait3A_328, %multiple_of3A_47] : memref<32x1000000xf32, #tpu.memory_space<hbm>> -> memref<32x128xf32, #tpu.memory_space<hbm>>
        tpu.wait_dma2 semaphore(%arg23 : memref<!tpu.dma_semaphore, #tpu.memory_space<semaphore_mem>>) src(%dma_wait3A_329 : memref<32x128xf32, #tpu.memory_space<hbm>>) dst(%dma_wait3A_327 : memref<32x128xf32, #tpu.memory_space<vmem>>)
        %dma_wait3A_330 = arith.constant 2 : i32
        %dma_wait3A_331 = arith.constant 0 : i32
        %dma_wait3A_332 = arith.constant 0 : i32
        %dma_wait3A_333 = tpu.memref_slice %arg15[%dma_wait3A_330, %dma_wait3A_331, %dma_wait3A_332] : memref<14x32x128xf32, #tpu.memory_space<vmem>> -> memref<1x32x128xf32, #tpu.memory_space<vmem>>
        %dma_wait3A_334 = tpu.memref_squeeze %dma_wait3A_333 : memref<1x32x128xf32, #tpu.memory_space<vmem>> -> memref<32x128xf32, #tpu.memory_space<vmem>>
        %dma_wait3A_335 = arith.constant 0 : i32
        %dma_wait3A_336 = tpu.memref_slice %arg9[%dma_wait3A_335, %multiple_of3A_69] : memref<32x1000000xf32, #tpu.memory_space<hbm>> -> memref<32x128xf32, #tpu.memory_space<hbm>>
        %dma_wait3A_337 = arith.constant 0 : i32
        %dma_wait3A_338 = arith.constant 0 : i32
        %dma_wait3A_339 = tpu.memref_slice %arg15[%dma_wait3A_330, %dma_wait3A_337, %dma_wait3A_338] : memref<14x32x128xf32, #tpu.memory_space<vmem>> -> memref<1x32x128xf32, #tpu.memory_space<vmem>>
        %dma_wait3A_340 = tpu.memref_squeeze %dma_wait3A_339 : memref<1x32x128xf32, #tpu.memory_space<vmem>> -> memref<32x128xf32, #tpu.memory_space<vmem>>
        %dma_wait3A_341 = arith.constant 0 : i32
        %dma_wait3A_342 = tpu.memref_slice %arg9[%dma_wait3A_341, %multiple_of3A_69] : memref<32x1000000xf32, #tpu.memory_space<hbm>> -> memref<32x128xf32, #tpu.memory_space<hbm>>
        tpu.wait_dma2 semaphore(%arg23 : memref<!tpu.dma_semaphore, #tpu.memory_space<semaphore_mem>>) src(%dma_wait3A_342 : memref<32x128xf32, #tpu.memory_space<hbm>>) dst(%dma_wait3A_340 : memref<32x128xf32, #tpu.memory_space<vmem>>)
        %dma_wait3A_343 = arith.constant 3 : i32
        %dma_wait3A_344 = arith.constant 0 : i32
        %dma_wait3A_345 = arith.constant 0 : i32
        %dma_wait3A_346 = tpu.memref_slice %arg15[%dma_wait3A_343, %dma_wait3A_344, %dma_wait3A_345] : memref<14x32x128xf32, #tpu.memory_space<vmem>> -> memref<1x32x128xf32, #tpu.memory_space<vmem>>
        %dma_wait3A_347 = tpu.memref_squeeze %dma_wait3A_346 : memref<1x32x128xf32, #tpu.memory_space<vmem>> -> memref<32x128xf32, #tpu.memory_space<vmem>>
        %dma_wait3A_348 = arith.constant 0 : i32
        %dma_wait3A_349 = tpu.memref_slice %arg9[%dma_wait3A_348, %multiple_of3A_91] : memref<32x1000000xf32, #tpu.memory_space<hbm>> -> memref<32x128xf32, #tpu.memory_space<hbm>>
        %dma_wait3A_350 = arith.constant 0 : i32
        %dma_wait3A_351 = arith.constant 0 : i32
        %dma_wait3A_352 = tpu.memref_slice %arg15[%dma_wait3A_343, %dma_wait3A_350, %dma_wait3A_351] : memref<14x32x128xf32, #tpu.memory_space<vmem>> -> memref<1x32x128xf32, #tpu.memory_space<vmem>>
        %dma_wait3A_353 = tpu.memref_squeeze %dma_wait3A_352 : memref<1x32x128xf32, #tpu.memory_space<vmem>> -> memref<32x128xf32, #tpu.memory_space<vmem>>
        %dma_wait3A_354 = arith.constant 0 : i32
        %dma_wait3A_355 = tpu.memref_slice %arg9[%dma_wait3A_354, %multiple_of3A_91] : memref<32x1000000xf32, #tpu.memory_space<hbm>> -> memref<32x128xf32, #tpu.memory_space<hbm>>
        tpu.wait_dma2 semaphore(%arg23 : memref<!tpu.dma_semaphore, #tpu.memory_space<semaphore_mem>>) src(%dma_wait3A_355 : memref<32x128xf32, #tpu.memory_space<hbm>>) dst(%dma_wait3A_353 : memref<32x128xf32, #tpu.memory_space<vmem>>)
        %dma_wait3A_356 = arith.constant 4 : i32
        %dma_wait3A_357 = arith.constant 0 : i32
        %dma_wait3A_358 = arith.constant 0 : i32
        %dma_wait3A_359 = tpu.memref_slice %arg15[%dma_wait3A_356, %dma_wait3A_357, %dma_wait3A_358] : memref<14x32x128xf32, #tpu.memory_space<vmem>> -> memref<1x32x128xf32, #tpu.memory_space<vmem>>
        %dma_wait3A_360 = tpu.memref_squeeze %dma_wait3A_359 : memref<1x32x128xf32, #tpu.memory_space<vmem>> -> memref<32x128xf32, #tpu.memory_space<vmem>>
        %dma_wait3A_361 = arith.constant 0 : i32
        %dma_wait3A_362 = tpu.memref_slice %arg9[%dma_wait3A_361, %multiple_of3A_113] : memref<32x1000000xf32, #tpu.memory_space<hbm>> -> memref<32x128xf32, #tpu.memory_space<hbm>>
        %dma_wait3A_363 = arith.constant 0 : i32
        %dma_wait3A_364 = arith.constant 0 : i32
        %dma_wait3A_365 = tpu.memref_slice %arg15[%dma_wait3A_356, %dma_wait3A_363, %dma_wait3A_364] : memref<14x32x128xf32, #tpu.memory_space<vmem>> -> memref<1x32x128xf32, #tpu.memory_space<vmem>>
        %dma_wait3A_366 = tpu.memref_squeeze %dma_wait3A_365 : memref<1x32x128xf32, #tpu.memory_space<vmem>> -> memref<32x128xf32, #tpu.memory_space<vmem>>
        %dma_wait3A_367 = arith.constant 0 : i32
        %dma_wait3A_368 = tpu.memref_slice %arg9[%dma_wait3A_367, %multiple_of3A_113] : memref<32x1000000xf32, #tpu.memory_space<hbm>> -> memref<32x128xf32, #tpu.memory_space<hbm>>
        tpu.wait_dma2 semaphore(%arg23 : memref<!tpu.dma_semaphore, #tpu.memory_space<semaphore_mem>>) src(%dma_wait3A_368 : memref<32x128xf32, #tpu.memory_space<hbm>>) dst(%dma_wait3A_366 : memref<32x128xf32, #tpu.memory_space<vmem>>)
        %dma_wait3A_369 = arith.constant 5 : i32
        %dma_wait3A_370 = arith.constant 0 : i32
        %dma_wait3A_371 = arith.constant 0 : i32
        %dma_wait3A_372 = tpu.memref_slice %arg15[%dma_wait3A_369, %dma_wait3A_370, %dma_wait3A_371] : memref<14x32x128xf32, #tpu.memory_space<vmem>> -> memref<1x32x128xf32, #tpu.memory_space<vmem>>
        %dma_wait3A_373 = tpu.memref_squeeze %dma_wait3A_372 : memref<1x32x128xf32, #tpu.memory_space<vmem>> -> memref<32x128xf32, #tpu.memory_space<vmem>>
        %dma_wait3A_374 = arith.constant 0 : i32
        %dma_wait3A_375 = tpu.memref_slice %arg9[%dma_wait3A_374, %multiple_of3A_135] : memref<32x1000000xf32, #tpu.memory_space<hbm>> -> memref<32x128xf32, #tpu.memory_space<hbm>>
        %dma_wait3A_376 = arith.constant 0 : i32
        %dma_wait3A_377 = arith.constant 0 : i32
        %dma_wait3A_378 = tpu.memref_slice %arg15[%dma_wait3A_369, %dma_wait3A_376, %dma_wait3A_377] : memref<14x32x128xf32, #tpu.memory_space<vmem>> -> memref<1x32x128xf32, #tpu.memory_space<vmem>>
        %dma_wait3A_379 = tpu.memref_squeeze %dma_wait3A_378 : memref<1x32x128xf32, #tpu.memory_space<vmem>> -> memref<32x128xf32, #tpu.memory_space<vmem>>
        %dma_wait3A_380 = arith.constant 0 : i32
        %dma_wait3A_381 = tpu.memref_slice %arg9[%dma_wait3A_380, %multiple_of3A_135] : memref<32x1000000xf32, #tpu.memory_space<hbm>> -> memref<32x128xf32, #tpu.memory_space<hbm>>
        tpu.wait_dma2 semaphore(%arg23 : memref<!tpu.dma_semaphore, #tpu.memory_space<semaphore_mem>>) src(%dma_wait3A_381 : memref<32x128xf32, #tpu.memory_space<hbm>>) dst(%dma_wait3A_379 : memref<32x128xf32, #tpu.memory_space<vmem>>)
        %dma_wait3A_382 = arith.constant 6 : i32
        %dma_wait3A_383 = arith.constant 0 : i32
        %dma_wait3A_384 = arith.constant 0 : i32
        %dma_wait3A_385 = tpu.memref_slice %arg15[%dma_wait3A_382, %dma_wait3A_383, %dma_wait3A_384] : memref<14x32x128xf32, #tpu.memory_space<vmem>> -> memref<1x32x128xf32, #tpu.memory_space<vmem>>
        %dma_wait3A_386 = tpu.memref_squeeze %dma_wait3A_385 : memref<1x32x128xf32, #tpu.memory_space<vmem>> -> memref<32x128xf32, #tpu.memory_space<vmem>>
        %dma_wait3A_387 = arith.constant 0 : i32
        %dma_wait3A_388 = tpu.memref_slice %arg9[%dma_wait3A_387, %multiple_of3A_157] : memref<32x1000000xf32, #tpu.memory_space<hbm>> -> memref<32x128xf32, #tpu.memory_space<hbm>>
        %dma_wait3A_389 = arith.constant 0 : i32
        %dma_wait3A_390 = arith.constant 0 : i32
        %dma_wait3A_391 = tpu.memref_slice %arg15[%dma_wait3A_382, %dma_wait3A_389, %dma_wait3A_390] : memref<14x32x128xf32, #tpu.memory_space<vmem>> -> memref<1x32x128xf32, #tpu.memory_space<vmem>>
        %dma_wait3A_392 = tpu.memref_squeeze %dma_wait3A_391 : memref<1x32x128xf32, #tpu.memory_space<vmem>> -> memref<32x128xf32, #tpu.memory_space<vmem>>
        %dma_wait3A_393 = arith.constant 0 : i32
        %dma_wait3A_394 = tpu.memref_slice %arg9[%dma_wait3A_393, %multiple_of3A_157] : memref<32x1000000xf32, #tpu.memory_space<hbm>> -> memref<32x128xf32, #tpu.memory_space<hbm>>
        tpu.wait_dma2 semaphore(%arg23 : memref<!tpu.dma_semaphore, #tpu.memory_space<semaphore_mem>>) src(%dma_wait3A_394 : memref<32x128xf32, #tpu.memory_space<hbm>>) dst(%dma_wait3A_392 : memref<32x128xf32, #tpu.memory_space<vmem>>)
        %dma_wait3A_395 = arith.constant 7 : i32
        %dma_wait3A_396 = arith.constant 0 : i32
        %dma_wait3A_397 = arith.constant 0 : i32
        %dma_wait3A_398 = tpu.memref_slice %arg15[%dma_wait3A_395, %dma_wait3A_396, %dma_wait3A_397] : memref<14x32x128xf32, #tpu.memory_space<vmem>> -> memref<1x32x128xf32, #tpu.memory_space<vmem>>
        %dma_wait3A_399 = tpu.memref_squeeze %dma_wait3A_398 : memref<1x32x128xf32, #tpu.memory_space<vmem>> -> memref<32x128xf32, #tpu.memory_space<vmem>>
        %dma_wait3A_400 = arith.constant 0 : i32
        %dma_wait3A_401 = tpu.memref_slice %arg9[%dma_wait3A_400, %multiple_of3A_179] : memref<32x1000000xf32, #tpu.memory_space<hbm>> -> memref<32x128xf32, #tpu.memory_space<hbm>>
        %dma_wait3A_402 = arith.constant 0 : i32
        %dma_wait3A_403 = arith.constant 0 : i32
        %dma_wait3A_404 = tpu.memref_slice %arg15[%dma_wait3A_395, %dma_wait3A_402, %dma_wait3A_403] : memref<14x32x128xf32, #tpu.memory_space<vmem>> -> memref<1x32x128xf32, #tpu.memory_space<vmem>>
        %dma_wait3A_405 = tpu.memref_squeeze %dma_wait3A_404 : memref<1x32x128xf32, #tpu.memory_space<vmem>> -> memref<32x128xf32, #tpu.memory_space<vmem>>
        %dma_wait3A_406 = arith.constant 0 : i32
        %dma_wait3A_407 = tpu.memref_slice %arg9[%dma_wait3A_406, %multiple_of3A_179] : memref<32x1000000xf32, #tpu.memory_space<hbm>> -> memref<32x128xf32, #tpu.memory_space<hbm>>
        tpu.wait_dma2 semaphore(%arg23 : memref<!tpu.dma_semaphore, #tpu.memory_space<semaphore_mem>>) src(%dma_wait3A_407 : memref<32x128xf32, #tpu.memory_space<hbm>>) dst(%dma_wait3A_405 : memref<32x128xf32, #tpu.memory_space<vmem>>)
        %dma_wait3A_408 = arith.constant 8 : i32
        %dma_wait3A_409 = arith.constant 0 : i32
        %dma_wait3A_410 = arith.constant 0 : i32
        %dma_wait3A_411 = tpu.memref_slice %arg15[%dma_wait3A_408, %dma_wait3A_409, %dma_wait3A_410] : memref<14x32x128xf32, #tpu.memory_space<vmem>> -> memref<1x32x128xf32, #tpu.memory_space<vmem>>
        %dma_wait3A_412 = tpu.memref_squeeze %dma_wait3A_411 : memref<1x32x128xf32, #tpu.memory_space<vmem>> -> memref<32x128xf32, #tpu.memory_space<vmem>>
        %dma_wait3A_413 = arith.constant 0 : i32
        %dma_wait3A_414 = tpu.memref_slice %arg9[%dma_wait3A_413, %multiple_of3A_201] : memref<32x1000000xf32, #tpu.memory_space<hbm>> -> memref<32x128xf32, #tpu.memory_space<hbm>>
        %dma_wait3A_415 = arith.constant 0 : i32
        %dma_wait3A_416 = arith.constant 0 : i32
        %dma_wait3A_417 = tpu.memref_slice %arg15[%dma_wait3A_408, %dma_wait3A_415, %dma_wait3A_416] : memref<14x32x128xf32, #tpu.memory_space<vmem>> -> memref<1x32x128xf32, #tpu.memory_space<vmem>>
        %dma_wait3A_418 = tpu.memref_squeeze %dma_wait3A_417 : memref<1x32x128xf32, #tpu.memory_space<vmem>> -> memref<32x128xf32, #tpu.memory_space<vmem>>
        %dma_wait3A_419 = arith.constant 0 : i32
        %dma_wait3A_420 = tpu.memref_slice %arg9[%dma_wait3A_419, %multiple_of3A_201] : memref<32x1000000xf32, #tpu.memory_space<hbm>> -> memref<32x128xf32, #tpu.memory_space<hbm>>
        tpu.wait_dma2 semaphore(%arg23 : memref<!tpu.dma_semaphore, #tpu.memory_space<semaphore_mem>>) src(%dma_wait3A_420 : memref<32x128xf32, #tpu.memory_space<hbm>>) dst(%dma_wait3A_418 : memref<32x128xf32, #tpu.memory_space<vmem>>)
        %dma_wait3A_421 = arith.constant 9 : i32
        %dma_wait3A_422 = arith.constant 0 : i32
        %dma_wait3A_423 = arith.constant 0 : i32
        %dma_wait3A_424 = tpu.memref_slice %arg15[%dma_wait3A_421, %dma_wait3A_422, %dma_wait3A_423] : memref<14x32x128xf32, #tpu.memory_space<vmem>> -> memref<1x32x128xf32, #tpu.memory_space<vmem>>
        %dma_wait3A_425 = tpu.memref_squeeze %dma_wait3A_424 : memref<1x32x128xf32, #tpu.memory_space<vmem>> -> memref<32x128xf32, #tpu.memory_space<vmem>>
        %dma_wait3A_426 = arith.constant 0 : i32
        %dma_wait3A_427 = tpu.memref_slice %arg9[%dma_wait3A_426, %multiple_of3A_223] : memref<32x1000000xf32, #tpu.memory_space<hbm>> -> memref<32x128xf32, #tpu.memory_space<hbm>>
        %dma_wait3A_428 = arith.constant 0 : i32
        %dma_wait3A_429 = arith.constant 0 : i32
        %dma_wait3A_430 = tpu.memref_slice %arg15[%dma_wait3A_421, %dma_wait3A_428, %dma_wait3A_429] : memref<14x32x128xf32, #tpu.memory_space<vmem>> -> memref<1x32x128xf32, #tpu.memory_space<vmem>>
        %dma_wait3A_431 = tpu.memref_squeeze %dma_wait3A_430 : memref<1x32x128xf32, #tpu.memory_space<vmem>> -> memref<32x128xf32, #tpu.memory_space<vmem>>
        %dma_wait3A_432 = arith.constant 0 : i32
        %dma_wait3A_433 = tpu.memref_slice %arg9[%dma_wait3A_432, %multiple_of3A_223] : memref<32x1000000xf32, #tpu.memory_space<hbm>> -> memref<32x128xf32, #tpu.memory_space<hbm>>
        tpu.wait_dma2 semaphore(%arg23 : memref<!tpu.dma_semaphore, #tpu.memory_space<semaphore_mem>>) src(%dma_wait3A_433 : memref<32x128xf32, #tpu.memory_space<hbm>>) dst(%dma_wait3A_431 : memref<32x128xf32, #tpu.memory_space<vmem>>)
        %dma_wait3A_434 = arith.constant 10 : i32
        %dma_wait3A_435 = arith.constant 0 : i32
        %dma_wait3A_436 = arith.constant 0 : i32
        %dma_wait3A_437 = tpu.memref_slice %arg15[%dma_wait3A_434, %dma_wait3A_435, %dma_wait3A_436] : memref<14x32x128xf32, #tpu.memory_space<vmem>> -> memref<1x32x128xf32, #tpu.memory_space<vmem>>
        %dma_wait3A_438 = tpu.memref_squeeze %dma_wait3A_437 : memref<1x32x128xf32, #tpu.memory_space<vmem>> -> memref<32x128xf32, #tpu.memory_space<vmem>>
        %dma_wait3A_439 = arith.constant 0 : i32
        %dma_wait3A_440 = tpu.memref_slice %arg9[%dma_wait3A_439, %multiple_of3A_245] : memref<32x1000000xf32, #tpu.memory_space<hbm>> -> memref<32x128xf32, #tpu.memory_space<hbm>>
        %dma_wait3A_441 = arith.constant 0 : i32
        %dma_wait3A_442 = arith.constant 0 : i32
        %dma_wait3A_443 = tpu.memref_slice %arg15[%dma_wait3A_434, %dma_wait3A_441, %dma_wait3A_442] : memref<14x32x128xf32, #tpu.memory_space<vmem>> -> memref<1x32x128xf32, #tpu.memory_space<vmem>>
        %dma_wait3A_444 = tpu.memref_squeeze %dma_wait3A_443 : memref<1x32x128xf32, #tpu.memory_space<vmem>> -> memref<32x128xf32, #tpu.memory_space<vmem>>
        %dma_wait3A_445 = arith.constant 0 : i32
        %dma_wait3A_446 = tpu.memref_slice %arg9[%dma_wait3A_445, %multiple_of3A_245] : memref<32x1000000xf32, #tpu.memory_space<hbm>> -> memref<32x128xf32, #tpu.memory_space<hbm>>
        tpu.wait_dma2 semaphore(%arg23 : memref<!tpu.dma_semaphore, #tpu.memory_space<semaphore_mem>>) src(%dma_wait3A_446 : memref<32x128xf32, #tpu.memory_space<hbm>>) dst(%dma_wait3A_444 : memref<32x128xf32, #tpu.memory_space<vmem>>)
        %dma_wait3A_447 = arith.constant 11 : i32
        %dma_wait3A_448 = arith.constant 0 : i32
        %dma_wait3A_449 = arith.constant 0 : i32
        %dma_wait3A_450 = tpu.memref_slice %arg15[%dma_wait3A_447, %dma_wait3A_448, %dma_wait3A_449] : memref<14x32x128xf32, #tpu.memory_space<vmem>> -> memref<1x32x128xf32, #tpu.memory_space<vmem>>
        %dma_wait3A_451 = tpu.memref_squeeze %dma_wait3A_450 : memref<1x32x128xf32, #tpu.memory_space<vmem>> -> memref<32x128xf32, #tpu.memory_space<vmem>>
        %dma_wait3A_452 = arith.constant 0 : i32
        %dma_wait3A_453 = tpu.memref_slice %arg9[%dma_wait3A_452, %multiple_of3A_267] : memref<32x1000000xf32, #tpu.memory_space<hbm>> -> memref<32x128xf32, #tpu.memory_space<hbm>>
        %dma_wait3A_454 = arith.constant 0 : i32
        %dma_wait3A_455 = arith.constant 0 : i32
        %dma_wait3A_456 = tpu.memref_slice %arg15[%dma_wait3A_447, %dma_wait3A_454, %dma_wait3A_455] : memref<14x32x128xf32, #tpu.memory_space<vmem>> -> memref<1x32x128xf32, #tpu.memory_space<vmem>>
        %dma_wait3A_457 = tpu.memref_squeeze %dma_wait3A_456 : memref<1x32x128xf32, #tpu.memory_space<vmem>> -> memref<32x128xf32, #tpu.memory_space<vmem>>
        %dma_wait3A_458 = arith.constant 0 : i32
        %dma_wait3A_459 = tpu.memref_slice %arg9[%dma_wait3A_458, %multiple_of3A_267] : memref<32x1000000xf32, #tpu.memory_space<hbm>> -> memref<32x128xf32, #tpu.memory_space<hbm>>
        tpu.wait_dma2 semaphore(%arg23 : memref<!tpu.dma_semaphore, #tpu.memory_space<semaphore_mem>>) src(%dma_wait3A_459 : memref<32x128xf32, #tpu.memory_space<hbm>>) dst(%dma_wait3A_457 : memref<32x128xf32, #tpu.memory_space<vmem>>)
        %dma_wait3A_460 = arith.constant 12 : i32
        %dma_wait3A_461 = arith.constant 0 : i32
        %dma_wait3A_462 = arith.constant 0 : i32
        %dma_wait3A_463 = tpu.memref_slice %arg15[%dma_wait3A_460, %dma_wait3A_461, %dma_wait3A_462] : memref<14x32x128xf32, #tpu.memory_space<vmem>> -> memref<1x32x128xf32, #tpu.memory_space<vmem>>
        %dma_wait3A_464 = tpu.memref_squeeze %dma_wait3A_463 : memref<1x32x128xf32, #tpu.memory_space<vmem>> -> memref<32x128xf32, #tpu.memory_space<vmem>>
        %dma_wait3A_465 = arith.constant 0 : i32
        %dma_wait3A_466 = tpu.memref_slice %arg9[%dma_wait3A_465, %multiple_of3A_289] : memref<32x1000000xf32, #tpu.memory_space<hbm>> -> memref<32x128xf32, #tpu.memory_space<hbm>>
        %dma_wait3A_467 = arith.constant 0 : i32
        %dma_wait3A_468 = arith.constant 0 : i32
        %dma_wait3A_469 = tpu.memref_slice %arg15[%dma_wait3A_460, %dma_wait3A_467, %dma_wait3A_468] : memref<14x32x128xf32, #tpu.memory_space<vmem>> -> memref<1x32x128xf32, #tpu.memory_space<vmem>>
        %dma_wait3A_470 = tpu.memref_squeeze %dma_wait3A_469 : memref<1x32x128xf32, #tpu.memory_space<vmem>> -> memref<32x128xf32, #tpu.memory_space<vmem>>
        %dma_wait3A_471 = arith.constant 0 : i32
        %dma_wait3A_472 = tpu.memref_slice %arg9[%dma_wait3A_471, %multiple_of3A_289] : memref<32x1000000xf32, #tpu.memory_space<hbm>> -> memref<32x128xf32, #tpu.memory_space<hbm>>
        tpu.wait_dma2 semaphore(%arg23 : memref<!tpu.dma_semaphore, #tpu.memory_space<semaphore_mem>>) src(%dma_wait3A_472 : memref<32x128xf32, #tpu.memory_space<hbm>>) dst(%dma_wait3A_470 : memref<32x128xf32, #tpu.memory_space<vmem>>)
        %broadcast_in_dim3A_473 = vector.broadcast %and3A_40 : i32 to vector<16xi32>
        %broadcast_in_dim3A_474 = arith.constant 0 : i32
        %broadcast_in_dim3A_475 = vector.broadcast %broadcast_in_dim3A_474 : i32 to vector<16xi32>
        %gather3A_476 = tpu.vector_load_idx %arg15[%broadcast_in_dim3A_475, %iota3A, %broadcast_in_dim3A_473] : memref<14x32x128xf32, #tpu.memory_space<vmem>>[vector<16xi32>, vector<16xi32>, vector<16xi32>], vector<16xf32>,
        %add3A_477 = arith.constant 16 : i32
        %add3A_478 = vector.broadcast %add3A_477 : i32 to vector<16xi32>
        %add3A_479 = arith.addi %iota3A, %add3A_478 : vector<16xi32>
        %gather3A_480 = tpu.vector_load_idx %arg15[%broadcast_in_dim3A_475, %add3A_479, %broadcast_in_dim3A_473] : memref<14x32x128xf32, #tpu.memory_space<vmem>>[vector<16xi32>, vector<16xi32>, vector<16xi32>], vector<16xf32>,
        %add3A_481 = arith.constant 0 : i32
        %add3A_482 = arith.addi %mul3A_22, %add3A_481 : i32
        %lt3A_483 = arith.constant 200 : i32
        %lt3A_484 = arith.cmpi slt, %add3A_482, %lt3A_483 : i32
        %select_n3A = arith.select %lt3A_484, %gather3A_476, %broadcast_in_dim3A_2 : vector<16xf32>
        %add3A_485 = arith.addf %broadcast_in_dim3A_2, %select_n3A : vector<16xf32>
        %select_n3A_486 = arith.select %lt3A_484, %gather3A_480, %broadcast_in_dim3A_2 : vector<16xf32>
        %add3A_487 = arith.addf %broadcast_in_dim3A_2, %select_n3A_486 : vector<16xf32>
        %broadcast_in_dim3A_488 = vector.broadcast %and3A_62 : i32 to vector<16xi32>
        %broadcast_in_dim3A_489 = arith.constant 1 : i32
        %broadcast_in_dim3A_490 = vector.broadcast %broadcast_in_dim3A_489 : i32 to vector<16xi32>
        %gather3A_491 = tpu.vector_load_idx %arg15[%broadcast_in_dim3A_490, %iota3A, %broadcast_in_dim3A_488] : memref<14x32x128xf32, #tpu.memory_space<vmem>>[vector<16xi32>, vector<16xi32>, vector<16xi32>], vector<16xf32>,
        %add3A_492 = arith.constant 16 : i32
        %add3A_493 = vector.broadcast %add3A_492 : i32 to vector<16xi32>
        %add3A_494 = arith.addi %iota3A, %add3A_493 : vector<16xi32>
        %gather3A_495 = tpu.vector_load_idx %arg15[%broadcast_in_dim3A_490, %add3A_494, %broadcast_in_dim3A_488] : memref<14x32x128xf32, #tpu.memory_space<vmem>>[vector<16xi32>, vector<16xi32>, vector<16xi32>], vector<16xf32>,
        %add3A_496 = arith.constant 1 : i32
        %add3A_497 = arith.addi %mul3A_22, %add3A_496 : i32
        %lt3A_498 = arith.constant 200 : i32
        %lt3A_499 = arith.cmpi slt, %add3A_497, %lt3A_498 : i32
        %select_n3A_500 = arith.select %lt3A_499, %gather3A_491, %broadcast_in_dim3A_2 : vector<16xf32>
        %add3A_501 = arith.addf %add3A_485, %select_n3A_500 : vector<16xf32>
        %select_n3A_502 = arith.select %lt3A_499, %gather3A_495, %broadcast_in_dim3A_2 : vector<16xf32>
        %add3A_503 = arith.addf %add3A_487, %select_n3A_502 : vector<16xf32>
        %broadcast_in_dim3A_504 = vector.broadcast %and3A_84 : i32 to vector<16xi32>
        %broadcast_in_dim3A_505 = arith.constant 2 : i32
        %broadcast_in_dim3A_506 = vector.broadcast %broadcast_in_dim3A_505 : i32 to vector<16xi32>
        %gather3A_507 = tpu.vector_load_idx %arg15[%broadcast_in_dim3A_506, %iota3A, %broadcast_in_dim3A_504] : memref<14x32x128xf32, #tpu.memory_space<vmem>>[vector<16xi32>, vector<16xi32>, vector<16xi32>], vector<16xf32>,
        %add3A_508 = arith.constant 16 : i32
        %add3A_509 = vector.broadcast %add3A_508 : i32 to vector<16xi32>
        %add3A_510 = arith.addi %iota3A, %add3A_509 : vector<16xi32>
        %gather3A_511 = tpu.vector_load_idx %arg15[%broadcast_in_dim3A_506, %add3A_510, %broadcast_in_dim3A_504] : memref<14x32x128xf32, #tpu.memory_space<vmem>>[vector<16xi32>, vector<16xi32>, vector<16xi32>], vector<16xf32>,
        %add3A_512 = arith.constant 2 : i32
        %add3A_513 = arith.addi %mul3A_22, %add3A_512 : i32
        %lt3A_514 = arith.constant 200 : i32
        %lt3A_515 = arith.cmpi slt, %add3A_513, %lt3A_514 : i32
        %select_n3A_516 = arith.select %lt3A_515, %gather3A_507, %broadcast_in_dim3A_2 : vector<16xf32>
        %add3A_517 = arith.addf %add3A_501, %select_n3A_516 : vector<16xf32>
        %select_n3A_518 = arith.select %lt3A_515, %gather3A_511, %broadcast_in_dim3A_2 : vector<16xf32>
        %add3A_519 = arith.addf %add3A_503, %select_n3A_518 : vector<16xf32>
        %broadcast_in_dim3A_520 = vector.broadcast %and3A_106 : i32 to vector<16xi32>
        %broadcast_in_dim3A_521 = arith.constant 3 : i32
        %broadcast_in_dim3A_522 = vector.broadcast %broadcast_in_dim3A_521 : i32 to vector<16xi32>
        %gather3A_523 = tpu.vector_load_idx %arg15[%broadcast_in_dim3A_522, %iota3A, %broadcast_in_dim3A_520] : memref<14x32x128xf32, #tpu.memory_space<vmem>>[vector<16xi32>, vector<16xi32>, vector<16xi32>], vector<16xf32>,
        %add3A_524 = arith.constant 16 : i32
        %add3A_525 = vector.broadcast %add3A_524 : i32 to vector<16xi32>
        %add3A_526 = arith.addi %iota3A, %add3A_525 : vector<16xi32>
        %gather3A_527 = tpu.vector_load_idx %arg15[%broadcast_in_dim3A_522, %add3A_526, %broadcast_in_dim3A_520] : memref<14x32x128xf32, #tpu.memory_space<vmem>>[vector<16xi32>, vector<16xi32>, vector<16xi32>], vector<16xf32>,
        %add3A_528 = arith.constant 3 : i32
        %add3A_529 = arith.addi %mul3A_22, %add3A_528 : i32
        %lt3A_530 = arith.constant 200 : i32
        %lt3A_531 = arith.cmpi slt, %add3A_529, %lt3A_530 : i32
        %select_n3A_532 = arith.select %lt3A_531, %gather3A_523, %broadcast_in_dim3A_2 : vector<16xf32>
        %add3A_533 = arith.addf %add3A_517, %select_n3A_532 : vector<16xf32>
        %select_n3A_534 = arith.select %lt3A_531, %gather3A_527, %broadcast_in_dim3A_2 : vector<16xf32>
        %add3A_535 = arith.addf %add3A_519, %select_n3A_534 : vector<16xf32>
        %broadcast_in_dim3A_536 = vector.broadcast %and3A_128 : i32 to vector<16xi32>
        %broadcast_in_dim3A_537 = arith.constant 4 : i32
        %broadcast_in_dim3A_538 = vector.broadcast %broadcast_in_dim3A_537 : i32 to vector<16xi32>
        %gather3A_539 = tpu.vector_load_idx %arg15[%broadcast_in_dim3A_538, %iota3A, %broadcast_in_dim3A_536] : memref<14x32x128xf32, #tpu.memory_space<vmem>>[vector<16xi32>, vector<16xi32>, vector<16xi32>], vector<16xf32>,
        %add3A_540 = arith.constant 16 : i32
        %add3A_541 = vector.broadcast %add3A_540 : i32 to vector<16xi32>
        %add3A_542 = arith.addi %iota3A, %add3A_541 : vector<16xi32>
        %gather3A_543 = tpu.vector_load_idx %arg15[%broadcast_in_dim3A_538, %add3A_542, %broadcast_in_dim3A_536] : memref<14x32x128xf32, #tpu.memory_space<vmem>>[vector<16xi32>, vector<16xi32>, vector<16xi32>], vector<16xf32>,
        %add3A_544 = arith.constant 4 : i32
        %add3A_545 = arith.addi %mul3A_22, %add3A_544 : i32
        %lt3A_546 = arith.constant 200 : i32
        %lt3A_547 = arith.cmpi slt, %add3A_545, %lt3A_546 : i32
        %select_n3A_548 = arith.select %lt3A_547, %gather3A_539, %broadcast_in_dim3A_2 : vector<16xf32>
        %add3A_549 = arith.addf %add3A_533, %select_n3A_548 : vector<16xf32>
        %select_n3A_550 = arith.select %lt3A_547, %gather3A_543, %broadcast_in_dim3A_2 : vector<16xf32>
        %add3A_551 = arith.addf %add3A_535, %select_n3A_550 : vector<16xf32>
        %broadcast_in_dim3A_552 = vector.broadcast %and3A_150 : i32 to vector<16xi32>
        %broadcast_in_dim3A_553 = arith.constant 5 : i32
        %broadcast_in_dim3A_554 = vector.broadcast %broadcast_in_dim3A_553 : i32 to vector<16xi32>
        %gather3A_555 = tpu.vector_load_idx %arg15[%broadcast_in_dim3A_554, %iota3A, %broadcast_in_dim3A_552] : memref<14x32x128xf32, #tpu.memory_space<vmem>>[vector<16xi32>, vector<16xi32>, vector<16xi32>], vector<16xf32>,
        %add3A_556 = arith.constant 16 : i32
        %add3A_557 = vector.broadcast %add3A_556 : i32 to vector<16xi32>
        %add3A_558 = arith.addi %iota3A, %add3A_557 : vector<16xi32>
        %gather3A_559 = tpu.vector_load_idx %arg15[%broadcast_in_dim3A_554, %add3A_558, %broadcast_in_dim3A_552] : memref<14x32x128xf32, #tpu.memory_space<vmem>>[vector<16xi32>, vector<16xi32>, vector<16xi32>], vector<16xf32>,
        %add3A_560 = arith.constant 5 : i32
        %add3A_561 = arith.addi %mul3A_22, %add3A_560 : i32
        %lt3A_562 = arith.constant 200 : i32
        %lt3A_563 = arith.cmpi slt, %add3A_561, %lt3A_562 : i32
        %select_n3A_564 = arith.select %lt3A_563, %gather3A_555, %broadcast_in_dim3A_2 : vector<16xf32>
        %add3A_565 = arith.addf %add3A_549, %select_n3A_564 : vector<16xf32>
        %select_n3A_566 = arith.select %lt3A_563, %gather3A_559, %broadcast_in_dim3A_2 : vector<16xf32>
        %add3A_567 = arith.addf %add3A_551, %select_n3A_566 : vector<16xf32>
        %broadcast_in_dim3A_568 = vector.broadcast %and3A_172 : i32 to vector<16xi32>
        %broadcast_in_dim3A_569 = arith.constant 6 : i32
        %broadcast_in_dim3A_570 = vector.broadcast %broadcast_in_dim3A_569 : i32 to vector<16xi32>
        %gather3A_571 = tpu.vector_load_idx %arg15[%broadcast_in_dim3A_570, %iota3A, %broadcast_in_dim3A_568] : memref<14x32x128xf32, #tpu.memory_space<vmem>>[vector<16xi32>, vector<16xi32>, vector<16xi32>], vector<16xf32>,
        %add3A_572 = arith.constant 16 : i32
        %add3A_573 = vector.broadcast %add3A_572 : i32 to vector<16xi32>
        %add3A_574 = arith.addi %iota3A, %add3A_573 : vector<16xi32>
        %gather3A_575 = tpu.vector_load_idx %arg15[%broadcast_in_dim3A_570, %add3A_574, %broadcast_in_dim3A_568] : memref<14x32x128xf32, #tpu.memory_space<vmem>>[vector<16xi32>, vector<16xi32>, vector<16xi32>], vector<16xf32>,
        %add3A_576 = arith.constant 6 : i32
        %add3A_577 = arith.addi %mul3A_22, %add3A_576 : i32
        %lt3A_578 = arith.constant 200 : i32
        %lt3A_579 = arith.cmpi slt, %add3A_577, %lt3A_578 : i32
        %select_n3A_580 = arith.select %lt3A_579, %gather3A_571, %broadcast_in_dim3A_2 : vector<16xf32>
        %add3A_581 = arith.addf %add3A_565, %select_n3A_580 : vector<16xf32>
        %select_n3A_582 = arith.select %lt3A_579, %gather3A_575, %broadcast_in_dim3A_2 : vector<16xf32>
        %add3A_583 = arith.addf %add3A_567, %select_n3A_582 : vector<16xf32>
        %broadcast_in_dim3A_584 = vector.broadcast %and3A_194 : i32 to vector<16xi32>
        %broadcast_in_dim3A_585 = arith.constant 7 : i32
        %broadcast_in_dim3A_586 = vector.broadcast %broadcast_in_dim3A_585 : i32 to vector<16xi32>
        %gather3A_587 = tpu.vector_load_idx %arg15[%broadcast_in_dim3A_586, %iota3A, %broadcast_in_dim3A_584] : memref<14x32x128xf32, #tpu.memory_space<vmem>>[vector<16xi32>, vector<16xi32>, vector<16xi32>], vector<16xf32>,
        %add3A_588 = arith.constant 16 : i32
        %add3A_589 = vector.broadcast %add3A_588 : i32 to vector<16xi32>
        %add3A_590 = arith.addi %iota3A, %add3A_589 : vector<16xi32>
        %gather3A_591 = tpu.vector_load_idx %arg15[%broadcast_in_dim3A_586, %add3A_590, %broadcast_in_dim3A_584] : memref<14x32x128xf32, #tpu.memory_space<vmem>>[vector<16xi32>, vector<16xi32>, vector<16xi32>], vector<16xf32>,
        %add3A_592 = arith.constant 7 : i32
        %add3A_593 = arith.addi %mul3A_22, %add3A_592 : i32
        %lt3A_594 = arith.constant 200 : i32
        %lt3A_595 = arith.cmpi slt, %add3A_593, %lt3A_594 : i32
        %select_n3A_596 = arith.select %lt3A_595, %gather3A_587, %broadcast_in_dim3A_2 : vector<16xf32>
        %add3A_597 = arith.addf %add3A_581, %select_n3A_596 : vector<16xf32>
        %select_n3A_598 = arith.select %lt3A_595, %gather3A_591, %broadcast_in_dim3A_2 : vector<16xf32>
        %add3A_599 = arith.addf %add3A_583, %select_n3A_598 : vector<16xf32>
        %broadcast_in_dim3A_600 = vector.broadcast %and3A_216 : i32 to vector<16xi32>
        %broadcast_in_dim3A_601 = arith.constant 8 : i32
        %broadcast_in_dim3A_602 = vector.broadcast %broadcast_in_dim3A_601 : i32 to vector<16xi32>
        %gather3A_603 = tpu.vector_load_idx %arg15[%broadcast_in_dim3A_602, %iota3A, %broadcast_in_dim3A_600] : memref<14x32x128xf32, #tpu.memory_space<vmem>>[vector<16xi32>, vector<16xi32>, vector<16xi32>], vector<16xf32>,
        %add3A_604 = arith.constant 16 : i32
        %add3A_605 = vector.broadcast %add3A_604 : i32 to vector<16xi32>
        %add3A_606 = arith.addi %iota3A, %add3A_605 : vector<16xi32>
        %gather3A_607 = tpu.vector_load_idx %arg15[%broadcast_in_dim3A_602, %add3A_606, %broadcast_in_dim3A_600] : memref<14x32x128xf32, #tpu.memory_space<vmem>>[vector<16xi32>, vector<16xi32>, vector<16xi32>], vector<16xf32>,
        %add3A_608 = arith.constant 8 : i32
        %add3A_609 = arith.addi %mul3A_22, %add3A_608 : i32
        %lt3A_610 = arith.constant 200 : i32
        %lt3A_611 = arith.cmpi slt, %add3A_609, %lt3A_610 : i32
        %select_n3A_612 = arith.select %lt3A_611, %gather3A_603, %broadcast_in_dim3A_2 : vector<16xf32>
        %add3A_613 = arith.addf %add3A_597, %select_n3A_612 : vector<16xf32>
        %select_n3A_614 = arith.select %lt3A_611, %gather3A_607, %broadcast_in_dim3A_2 : vector<16xf32>
        %add3A_615 = arith.addf %add3A_599, %select_n3A_614 : vector<16xf32>
        %broadcast_in_dim3A_616 = vector.broadcast %and3A_238 : i32 to vector<16xi32>
        %broadcast_in_dim3A_617 = arith.constant 9 : i32
        %broadcast_in_dim3A_618 = vector.broadcast %broadcast_in_dim3A_617 : i32 to vector<16xi32>
        %gather3A_619 = tpu.vector_load_idx %arg15[%broadcast_in_dim3A_618, %iota3A, %broadcast_in_dim3A_616] : memref<14x32x128xf32, #tpu.memory_space<vmem>>[vector<16xi32>, vector<16xi32>, vector<16xi32>], vector<16xf32>,
        %add3A_620 = arith.constant 16 : i32
        %add3A_621 = vector.broadcast %add3A_620 : i32 to vector<16xi32>
        %add3A_622 = arith.addi %iota3A, %add3A_621 : vector<16xi32>
        %gather3A_623 = tpu.vector_load_idx %arg15[%broadcast_in_dim3A_618, %add3A_622, %broadcast_in_dim3A_616] : memref<14x32x128xf32, #tpu.memory_space<vmem>>[vector<16xi32>, vector<16xi32>, vector<16xi32>], vector<16xf32>,
        %add3A_624 = arith.constant 9 : i32
        %add3A_625 = arith.addi %mul3A_22, %add3A_624 : i32
        %lt3A_626 = arith.constant 200 : i32
        %lt3A_627 = arith.cmpi slt, %add3A_625, %lt3A_626 : i32
        %select_n3A_628 = arith.select %lt3A_627, %gather3A_619, %broadcast_in_dim3A_2 : vector<16xf32>
        %add3A_629 = arith.addf %add3A_613, %select_n3A_628 : vector<16xf32>
        %select_n3A_630 = arith.select %lt3A_627, %gather3A_623, %broadcast_in_dim3A_2 : vector<16xf32>
        %add3A_631 = arith.addf %add3A_615, %select_n3A_630 : vector<16xf32>
        %broadcast_in_dim3A_632 = vector.broadcast %and3A_260 : i32 to vector<16xi32>
        %broadcast_in_dim3A_633 = arith.constant 10 : i32
        %broadcast_in_dim3A_634 = vector.broadcast %broadcast_in_dim3A_633 : i32 to vector<16xi32>
        %gather3A_635 = tpu.vector_load_idx %arg15[%broadcast_in_dim3A_634, %iota3A, %broadcast_in_dim3A_632] : memref<14x32x128xf32, #tpu.memory_space<vmem>>[vector<16xi32>, vector<16xi32>, vector<16xi32>], vector<16xf32>,
        %add3A_636 = arith.constant 16 : i32
        %add3A_637 = vector.broadcast %add3A_636 : i32 to vector<16xi32>
        %add3A_638 = arith.addi %iota3A, %add3A_637 : vector<16xi32>
        %gather3A_639 = tpu.vector_load_idx %arg15[%broadcast_in_dim3A_634, %add3A_638, %broadcast_in_dim3A_632] : memref<14x32x128xf32, #tpu.memory_space<vmem>>[vector<16xi32>, vector<16xi32>, vector<16xi32>], vector<16xf32>,
        %add3A_640 = arith.constant 10 : i32
        %add3A_641 = arith.addi %mul3A_22, %add3A_640 : i32
        %lt3A_642 = arith.constant 200 : i32
        %lt3A_643 = arith.cmpi slt, %add3A_641, %lt3A_642 : i32
        %select_n3A_644 = arith.select %lt3A_643, %gather3A_635, %broadcast_in_dim3A_2 : vector<16xf32>
        %add3A_645 = arith.addf %add3A_629, %select_n3A_644 : vector<16xf32>
        %select_n3A_646 = arith.select %lt3A_643, %gather3A_639, %broadcast_in_dim3A_2 : vector<16xf32>
        %add3A_647 = arith.addf %add3A_631, %select_n3A_646 : vector<16xf32>
        %broadcast_in_dim3A_648 = vector.broadcast %and3A_282 : i32 to vector<16xi32>
        %broadcast_in_dim3A_649 = arith.constant 11 : i32
        %broadcast_in_dim3A_650 = vector.broadcast %broadcast_in_dim3A_649 : i32 to vector<16xi32>
        %gather3A_651 = tpu.vector_load_idx %arg15[%broadcast_in_dim3A_650, %iota3A, %broadcast_in_dim3A_648] : memref<14x32x128xf32, #tpu.memory_space<vmem>>[vector<16xi32>, vector<16xi32>, vector<16xi32>], vector<16xf32>,
        %add3A_652 = arith.constant 16 : i32
        %add3A_653 = vector.broadcast %add3A_652 : i32 to vector<16xi32>
        %add3A_654 = arith.addi %iota3A, %add3A_653 : vector<16xi32>
        %gather3A_655 = tpu.vector_load_idx %arg15[%broadcast_in_dim3A_650, %add3A_654, %broadcast_in_dim3A_648] : memref<14x32x128xf32, #tpu.memory_space<vmem>>[vector<16xi32>, vector<16xi32>, vector<16xi32>], vector<16xf32>,
        %add3A_656 = arith.constant 11 : i32
        %add3A_657 = arith.addi %mul3A_22, %add3A_656 : i32
        %lt3A_658 = arith.constant 200 : i32
        %lt3A_659 = arith.cmpi slt, %add3A_657, %lt3A_658 : i32
        %select_n3A_660 = arith.select %lt3A_659, %gather3A_651, %broadcast_in_dim3A_2 : vector<16xf32>
        %add3A_661 = arith.addf %add3A_645, %select_n3A_660 : vector<16xf32>
        %select_n3A_662 = arith.select %lt3A_659, %gather3A_655, %broadcast_in_dim3A_2 : vector<16xf32>
        %add3A_663 = arith.addf %add3A_647, %select_n3A_662 : vector<16xf32>
        %broadcast_in_dim3A_664 = vector.broadcast %and3A_304 : i32 to vector<16xi32>
        %broadcast_in_dim3A_665 = arith.constant 12 : i32
        %broadcast_in_dim3A_666 = vector.broadcast %broadcast_in_dim3A_665 : i32 to vector<16xi32>
        %gather3A_667 = tpu.vector_load_idx %arg15[%broadcast_in_dim3A_666, %iota3A, %broadcast_in_dim3A_664] : memref<14x32x128xf32, #tpu.memory_space<vmem>>[vector<16xi32>, vector<16xi32>, vector<16xi32>], vector<16xf32>,
        %add3A_668 = arith.constant 16 : i32
        %add3A_669 = vector.broadcast %add3A_668 : i32 to vector<16xi32>
        %add3A_670 = arith.addi %iota3A, %add3A_669 : vector<16xi32>
        %gather3A_671 = tpu.vector_load_idx %arg15[%broadcast_in_dim3A_666, %add3A_670, %broadcast_in_dim3A_664] : memref<14x32x128xf32, #tpu.memory_space<vmem>>[vector<16xi32>, vector<16xi32>, vector<16xi32>], vector<16xf32>,
        %add3A_672 = arith.constant 12 : i32
        %add3A_673 = arith.addi %mul3A_22, %add3A_672 : i32
        %lt3A_674 = arith.constant 200 : i32
        %lt3A_675 = arith.cmpi slt, %add3A_673, %lt3A_674 : i32
        %select_n3A_676 = arith.select %lt3A_675, %gather3A_667, %broadcast_in_dim3A_2 : vector<16xf32>
        %add3A_677 = arith.addf %add3A_661, %select_n3A_676 : vector<16xf32>
        %select_n3A_678 = arith.select %lt3A_675, %gather3A_671, %broadcast_in_dim3A_2 : vector<16xf32>
        %add3A_679 = arith.addf %add3A_663, %select_n3A_678 : vector<16xf32>
        %swap3A = arith.constant 0 : i32
        %swap3A_680 = arith.index_cast %swap3A : i32 to index
        %swap3A_681 = arith.constant 16 : index
        %swap3A_682 = tpu.vector_load %arg17[%swap3A_680, %swap3A_681] {strides = array<i32>} : memref<1x64xf32, #tpu.memory_space<vmem>>, vector<16xf32>,
        tpu.vector_store %arg17[%swap3A_680, %swap3A_681], %add3A_677 {strides = array<i32>} : memref<1x64xf32, #tpu.memory_space<vmem>>, vector<16xf32>,
        %swap3A_683 = arith.constant 0 : i32
        %swap3A_684 = arith.index_cast %swap3A_683 : i32 to index
        %swap3A_685 = arith.constant 32 : index
        %swap3A_686 = tpu.vector_load %arg17[%swap3A_684, %swap3A_685] {strides = array<i32>} : memref<1x64xf32, #tpu.memory_space<vmem>>, vector<16xf32>,
        tpu.vector_store %arg17[%swap3A_684, %swap3A_685], %add3A_679 {strides = array<i32>} : memref<1x64xf32, #tpu.memory_space<vmem>>, vector<16xf32>,
        "tpu.region"() ({
          %run_scoped3A = tpu.sem_alloc : memref<!tpu.dma_semaphore, #tpu.memory_space<semaphore_mem>>
          %dma_start3A_687 = arith.constant 0 : i32
          %dma_start3A_688 = tpu.memref_slice %arg20[%arg1, %dma_start3A_687] : memref<21x64xf32, #tpu.memory_space<vmem_shared>> -> memref<1x64xf32, #tpu.memory_space<vmem_shared>>
          %dma_start3A_689 = arith.constant 0 : i32
          %dma_start3A_690 = tpu.memref_slice %arg20[%arg1, %dma_start3A_689] : memref<21x64xf32, #tpu.memory_space<vmem_shared>> -> memref<1x64xf32, #tpu.memory_space<vmem_shared>>
          tpu.enqueue_dma source(%arg17 : memref<1x64xf32, #tpu.memory_space<vmem>>) target(%dma_start3A_690 : memref<1x64xf32, #tpu.memory_space<vmem_shared>>) target_semaphore(%run_scoped3A : memref<!tpu.dma_semaphore, #tpu.memory_space<semaphore_mem>>)
          %dma_wait3A_691 = arith.constant 0 : i32
          %dma_wait3A_692 = tpu.memref_slice %arg20[%arg1, %dma_wait3A_691] : memref<21x64xf32, #tpu.memory_space<vmem_shared>> -> memref<1x64xf32, #tpu.memory_space<vmem_shared>>
          %dma_wait3A_693 = arith.constant 0 : i32
          %dma_wait3A_694 = tpu.memref_slice %arg20[%arg1, %dma_wait3A_693] : memref<21x64xf32, #tpu.memory_space<vmem_shared>> -> memref<1x64xf32, #tpu.memory_space<vmem_shared>>
          tpu.wait_dma2 semaphore(%run_scoped3A : memref<!tpu.dma_semaphore, #tpu.memory_space<semaphore_mem>>) src(%arg17 : memref<1x64xf32, #tpu.memory_space<vmem>>) dst(%dma_wait3A_694 : memref<1x64xf32, #tpu.memory_space<vmem_shared>>)
          tpu.yield
        }) : () -> ()
      } else {
      }
      %eq3A_7 = arith.constant 14 : i32
      %eq3A_8 = arith.cmpi eq, %arg1, %eq3A_7 : i32
      %convert_element_type3A_9 = arith.extui %eq3A_8 : i1 to i32
      %cond3A_10 = arith.constant 0 : i32
      %cond3A_11 = arith.cmpi ne, %convert_element_type3A_9, %cond3A_10 : i32
      scf.if %cond3A_11 {
        %dma_start3A = arith.constant 0 : i32
        %dma_start3A_22 = tpu.memref_slice %arg14[%dma_start3A] : memref<16xi32, #tpu.memory_space<vmem>> -> memref<1xi32, #tpu.memory_space<vmem>>
        %dma_start3A_23 = arith.constant 0 : i32
        %dma_start3A_24 = tpu.memref_slice %arg14[%dma_start3A_23] : memref<16xi32, #tpu.memory_space<vmem>> -> memref<1xi32, #tpu.memory_space<vmem>>
        tpu.enqueue_dma source(%arg2 : memref<1xi32, #tpu.memory_space<hbm>>) target(%dma_start3A_24 : memref<1xi32, #tpu.memory_space<vmem>>) target_semaphore(%arg24 : memref<!tpu.dma_semaphore, #tpu.memory_space<semaphore_mem>>)
        %dma_wait3A = arith.constant 0 : i32
        %dma_wait3A_25 = tpu.memref_slice %arg14[%dma_wait3A] : memref<16xi32, #tpu.memory_space<vmem>> -> memref<1xi32, #tpu.memory_space<vmem>>
        %dma_wait3A_26 = arith.constant 0 : i32
        %dma_wait3A_27 = tpu.memref_slice %arg14[%dma_wait3A_26] : memref<16xi32, #tpu.memory_space<vmem>> -> memref<1xi32, #tpu.memory_space<vmem>>
        tpu.wait_dma2 semaphore(%arg24 : memref<!tpu.dma_semaphore, #tpu.memory_space<semaphore_mem>>) src(%arg2 : memref<1xi32, #tpu.memory_space<hbm>>) dst(%dma_wait3A_27 : memref<1xi32, #tpu.memory_space<vmem>>)
        %get3A = arith.constant 0 : index
        %get3A_28 = tpu.vector_load %arg14[%get3A] {strides = array<i32>} : memref<16xi32, #tpu.memory_space<vmem>>, vector<16xi32>,
        %slice3A = vector.extract_strided_slice %get3A_28 {offsets = [0], sizes = [1], strides = [1]} : vector<16xi32> to vector<1xi32>
        %squeeze3A = vector.extract %slice3A[0] : i32 from vector<1xi32>
        %shift_right_logical3A = arith.constant 7 : i32
        %shift_right_logical3A_29 = arith.shrui %squeeze3A, %shift_right_logical3A : i32
        %shift_left3A = arith.constant 7 : i32
        %shift_left3A_30 = arith.shli %shift_right_logical3A_29, %shift_left3A : i32
        %multiple_of3A = tpu.assume_multiple %shift_left3A_30, 128 : i32
        %dma_start3A_31 = arith.constant 13 : i32
        %dma_start3A_32 = arith.constant 0 : i32
        %dma_start3A_33 = arith.constant 0 : i32
        %dma_start3A_34 = tpu.memref_slice %arg15[%dma_start3A_31, %dma_start3A_32, %dma_start3A_33] : memref<14x32x128xf32, #tpu.memory_space<vmem>> -> memref<1x32x128xf32, #tpu.memory_space<vmem>>
        %dma_start3A_35 = tpu.memref_squeeze %dma_start3A_34 : memref<1x32x128xf32, #tpu.memory_space<vmem>> -> memref<32x128xf32, #tpu.memory_space<vmem>>
        %dma_start3A_36 = arith.constant 0 : i32
        %dma_start3A_37 = tpu.memref_slice %arg5[%dma_start3A_36, %multiple_of3A] : memref<32x1000000xf32, #tpu.memory_space<hbm>> -> memref<32x128xf32, #tpu.memory_space<hbm>>
        %dma_start3A_38 = arith.constant 0 : i32
        %dma_start3A_39 = arith.constant 0 : i32
        %dma_start3A_40 = tpu.memref_slice %arg15[%dma_start3A_31, %dma_start3A_38, %dma_start3A_39] : memref<14x32x128xf32, #tpu.memory_space<vmem>> -> memref<1x32x128xf32, #tpu.memory_space<vmem>>
        %dma_start3A_41 = tpu.memref_squeeze %dma_start3A_40 : memref<1x32x128xf32, #tpu.memory_space<vmem>> -> memref<32x128xf32, #tpu.memory_space<vmem>>
        %dma_start3A_42 = arith.constant 0 : i32
        %dma_start3A_43 = tpu.memref_slice %arg5[%dma_start3A_42, %multiple_of3A] : memref<32x1000000xf32, #tpu.memory_space<hbm>> -> memref<32x128xf32, #tpu.memory_space<hbm>>
        tpu.enqueue_dma source(%dma_start3A_43 : memref<32x128xf32, #tpu.memory_space<hbm>>) target(%dma_start3A_41 : memref<32x128xf32, #tpu.memory_space<vmem>>) target_semaphore(%arg23 : memref<!tpu.dma_semaphore, #tpu.memory_space<semaphore_mem>>)
        %and3A = arith.constant 127 : i32
        %and3A_44 = arith.andi %squeeze3A, %and3A : i32
        %shift_right_logical3A_45 = arith.constant 4 : i32
        %shift_right_logical3A_46 = arith.shrui %squeeze3A, %shift_right_logical3A_45 : i32
        %shift_left3A_47 = arith.constant 4 : i32
        %shift_left3A_48 = arith.shli %shift_right_logical3A_46, %shift_left3A_47 : i32
        %multiple_of3A_49 = tpu.assume_multiple %shift_left3A_48, 16 : i32
        %dma_start3A_50 = tpu.memref_slice %arg7[%multiple_of3A_49] : memref<1000000xf32, #tpu.memory_space<hbm>> -> memref<16xf32, #tpu.memory_space<hbm>>
        %dma_start3A_51 = tpu.memref_slice %arg7[%multiple_of3A_49] : memref<1000000xf32, #tpu.memory_space<hbm>> -> memref<16xf32, #tpu.memory_space<hbm>>
        tpu.enqueue_dma source(%dma_start3A_51 : memref<16xf32, #tpu.memory_space<hbm>>) target(%arg16 : memref<16xf32, #tpu.memory_space<vmem>>) target_semaphore(%arg26 : memref<!tpu.dma_semaphore, #tpu.memory_space<semaphore_mem>>)
        %dma_wait3A_52 = arith.constant 13 : i32
        %dma_wait3A_53 = arith.constant 0 : i32
        %dma_wait3A_54 = arith.constant 0 : i32
        %dma_wait3A_55 = tpu.memref_slice %arg15[%dma_wait3A_52, %dma_wait3A_53, %dma_wait3A_54] : memref<14x32x128xf32, #tpu.memory_space<vmem>> -> memref<1x32x128xf32, #tpu.memory_space<vmem>>
        %dma_wait3A_56 = tpu.memref_squeeze %dma_wait3A_55 : memref<1x32x128xf32, #tpu.memory_space<vmem>> -> memref<32x128xf32, #tpu.memory_space<vmem>>
        %dma_wait3A_57 = arith.constant 0 : i32
        %dma_wait3A_58 = tpu.memref_slice %arg5[%dma_wait3A_57, %multiple_of3A] : memref<32x1000000xf32, #tpu.memory_space<hbm>> -> memref<32x128xf32, #tpu.memory_space<hbm>>
        %dma_wait3A_59 = arith.constant 0 : i32
        %dma_wait3A_60 = arith.constant 0 : i32
        %dma_wait3A_61 = tpu.memref_slice %arg15[%dma_wait3A_52, %dma_wait3A_59, %dma_wait3A_60] : memref<14x32x128xf32, #tpu.memory_space<vmem>> -> memref<1x32x128xf32, #tpu.memory_space<vmem>>
        %dma_wait3A_62 = tpu.memref_squeeze %dma_wait3A_61 : memref<1x32x128xf32, #tpu.memory_space<vmem>> -> memref<32x128xf32, #tpu.memory_space<vmem>>
        %dma_wait3A_63 = arith.constant 0 : i32
        %dma_wait3A_64 = tpu.memref_slice %arg5[%dma_wait3A_63, %multiple_of3A] : memref<32x1000000xf32, #tpu.memory_space<hbm>> -> memref<32x128xf32, #tpu.memory_space<hbm>>
        tpu.wait_dma2 semaphore(%arg23 : memref<!tpu.dma_semaphore, #tpu.memory_space<semaphore_mem>>) src(%dma_wait3A_64 : memref<32x128xf32, #tpu.memory_space<hbm>>) dst(%dma_wait3A_62 : memref<32x128xf32, #tpu.memory_space<vmem>>)
        %dma_wait3A_65 = tpu.memref_slice %arg7[%multiple_of3A_49] : memref<1000000xf32, #tpu.memory_space<hbm>> -> memref<16xf32, #tpu.memory_space<hbm>>
        %dma_wait3A_66 = tpu.memref_slice %arg7[%multiple_of3A_49] : memref<1000000xf32, #tpu.memory_space<hbm>> -> memref<16xf32, #tpu.memory_space<hbm>>
        tpu.wait_dma2 semaphore(%arg26 : memref<!tpu.dma_semaphore, #tpu.memory_space<semaphore_mem>>) src(%dma_wait3A_66 : memref<16xf32, #tpu.memory_space<hbm>>) dst(%arg16 : memref<16xf32, #tpu.memory_space<vmem>>)
        %broadcast_in_dim3A_67 = vector.broadcast %and3A_44 : i32 to vector<16xi32>
        %broadcast_in_dim3A_68 = arith.constant 13 : i32
        %broadcast_in_dim3A_69 = vector.broadcast %broadcast_in_dim3A_68 : i32 to vector<16xi32>
        %gather3A = tpu.vector_load_idx %arg15[%broadcast_in_dim3A_69, %iota3A, %broadcast_in_dim3A_67] : memref<14x32x128xf32, #tpu.memory_space<vmem>>[vector<16xi32>, vector<16xi32>, vector<16xi32>], vector<16xf32>,
        %add3A = arith.constant 16 : i32
        %add3A_70 = vector.broadcast %add3A : i32 to vector<16xi32>
        %add3A_71 = arith.addi %iota3A, %add3A_70 : vector<16xi32>
        %gather3A_72 = tpu.vector_load_idx %arg15[%broadcast_in_dim3A_69, %add3A_71, %broadcast_in_dim3A_67] : memref<14x32x128xf32, #tpu.memory_space<vmem>>[vector<16xi32>, vector<16xi32>, vector<16xi32>], vector<16xf32>,
        %swap3A = arith.constant 0 : i32
        %swap3A_73 = arith.index_cast %swap3A : i32 to index
        %swap3A_74 = arith.constant 16 : index
        %swap3A_75 = tpu.vector_load %arg17[%swap3A_73, %swap3A_74] {strides = array<i32>} : memref<1x64xf32, #tpu.memory_space<vmem>>, vector<16xf32>,
        tpu.vector_store %arg17[%swap3A_73, %swap3A_74], %gather3A {strides = array<i32>} : memref<1x64xf32, #tpu.memory_space<vmem>>, vector<16xf32>,
        %swap3A_76 = arith.constant 0 : i32
        %swap3A_77 = arith.index_cast %swap3A_76 : i32 to index
        %swap3A_78 = arith.constant 32 : index
        %swap3A_79 = tpu.vector_load %arg17[%swap3A_77, %swap3A_78] {strides = array<i32>} : memref<1x64xf32, #tpu.memory_space<vmem>>, vector<16xf32>,
        tpu.vector_store %arg17[%swap3A_77, %swap3A_78], %gather3A_72 {strides = array<i32>} : memref<1x64xf32, #tpu.memory_space<vmem>>, vector<16xf32>,
        "tpu.region"() ({
          %run_scoped3A = tpu.sem_alloc : memref<!tpu.dma_semaphore, #tpu.memory_space<semaphore_mem>>
          %dma_start3A_94 = arith.constant 17 : i32
          %dma_start3A_95 = arith.constant 0 : i32
          %dma_start3A_96 = tpu.memref_slice %arg20[%dma_start3A_94, %dma_start3A_95] : memref<21x64xf32, #tpu.memory_space<vmem_shared>> -> memref<1x64xf32, #tpu.memory_space<vmem_shared>>
          %dma_start3A_97 = arith.constant 17 : i32
          %dma_start3A_98 = arith.constant 0 : i32
          %dma_start3A_99 = tpu.memref_slice %arg20[%dma_start3A_97, %dma_start3A_98] : memref<21x64xf32, #tpu.memory_space<vmem_shared>> -> memref<1x64xf32, #tpu.memory_space<vmem_shared>>
          tpu.enqueue_dma source(%arg17 : memref<1x64xf32, #tpu.memory_space<vmem>>) target(%dma_start3A_99 : memref<1x64xf32, #tpu.memory_space<vmem_shared>>) target_semaphore(%run_scoped3A : memref<!tpu.dma_semaphore, #tpu.memory_space<semaphore_mem>>)
          %dma_wait3A_100 = arith.constant 17 : i32
          %dma_wait3A_101 = arith.constant 0 : i32
          %dma_wait3A_102 = tpu.memref_slice %arg20[%dma_wait3A_100, %dma_wait3A_101] : memref<21x64xf32, #tpu.memory_space<vmem_shared>> -> memref<1x64xf32, #tpu.memory_space<vmem_shared>>
          %dma_wait3A_103 = arith.constant 17 : i32
          %dma_wait3A_104 = arith.constant 0 : i32
          %dma_wait3A_105 = tpu.memref_slice %arg20[%dma_wait3A_103, %dma_wait3A_104] : memref<21x64xf32, #tpu.memory_space<vmem_shared>> -> memref<1x64xf32, #tpu.memory_space<vmem_shared>>
          tpu.wait_dma2 semaphore(%run_scoped3A : memref<!tpu.dma_semaphore, #tpu.memory_space<semaphore_mem>>) src(%arg17 : memref<1x64xf32, #tpu.memory_space<vmem>>) dst(%dma_wait3A_105 : memref<1x64xf32, #tpu.memory_space<vmem_shared>>)
          tpu.yield
        }) : () -> ()
        %and3A_80 = arith.constant 15 : i32
        %and3A_81 = arith.andi %squeeze3A, %and3A_80 : i32
        %eq3A_82 = vector.broadcast %and3A_81 : i32 to vector<16xi32>
        %eq3A_83 = arith.cmpi eq, %iota3A, %eq3A_82 : vector<16xi32>
        %get3A_84 = arith.constant 0 : index
        %get3A_85 = tpu.vector_load %arg16[%get3A_84] {strides = array<i32>} : memref<16xf32, #tpu.memory_space<vmem>>, vector<16xf32>,
        %select_n3A = arith.select %eq3A_83, %get3A_85, %broadcast_in_dim3A_2 : vector<16xi1>, vector<16xf32>
        %swap3A_86 = arith.constant 0 : i32
        %swap3A_87 = arith.index_cast %swap3A_86 : i32 to index
        %swap3A_88 = arith.constant 16 : index
        %swap3A_89 = tpu.vector_load %arg17[%swap3A_87, %swap3A_88] {strides = array<i32>} : memref<1x64xf32, #tpu.memory_space<vmem>>, vector<16xf32>,
        tpu.vector_store %arg17[%swap3A_87, %swap3A_88], %select_n3A {strides = array<i32>} : memref<1x64xf32, #tpu.memory_space<vmem>>, vector<16xf32>,
        %swap3A_90 = arith.constant 0 : i32
        %swap3A_91 = arith.index_cast %swap3A_90 : i32 to index
        %swap3A_92 = arith.constant 32 : index
        %swap3A_93 = tpu.vector_load %arg17[%swap3A_91, %swap3A_92] {strides = array<i32>} : memref<1x64xf32, #tpu.memory_space<vmem>>, vector<16xf32>,
        tpu.vector_store %arg17[%swap3A_91, %swap3A_92], %broadcast_in_dim3A_2 {strides = array<i32>} : memref<1x64xf32, #tpu.memory_space<vmem>>, vector<16xf32>,
        "tpu.region"() ({
          %run_scoped3A = tpu.sem_alloc : memref<!tpu.dma_semaphore, #tpu.memory_space<semaphore_mem>>
          %dma_start3A_94 = arith.constant 19 : i32
          %dma_start3A_95 = arith.constant 0 : i32
          %dma_start3A_96 = tpu.memref_slice %arg20[%dma_start3A_94, %dma_start3A_95] : memref<21x64xf32, #tpu.memory_space<vmem_shared>> -> memref<1x64xf32, #tpu.memory_space<vmem_shared>>
          %dma_start3A_97 = arith.constant 19 : i32
          %dma_start3A_98 = arith.constant 0 : i32
          %dma_start3A_99 = tpu.memref_slice %arg20[%dma_start3A_97, %dma_start3A_98] : memref<21x64xf32, #tpu.memory_space<vmem_shared>> -> memref<1x64xf32, #tpu.memory_space<vmem_shared>>
          tpu.enqueue_dma source(%arg17 : memref<1x64xf32, #tpu.memory_space<vmem>>) target(%dma_start3A_99 : memref<1x64xf32, #tpu.memory_space<vmem_shared>>) target_semaphore(%run_scoped3A : memref<!tpu.dma_semaphore, #tpu.memory_space<semaphore_mem>>)
          %dma_wait3A_100 = arith.constant 19 : i32
          %dma_wait3A_101 = arith.constant 0 : i32
          %dma_wait3A_102 = tpu.memref_slice %arg20[%dma_wait3A_100, %dma_wait3A_101] : memref<21x64xf32, #tpu.memory_space<vmem_shared>> -> memref<1x64xf32, #tpu.memory_space<vmem_shared>>
          %dma_wait3A_103 = arith.constant 19 : i32
          %dma_wait3A_104 = arith.constant 0 : i32
          %dma_wait3A_105 = tpu.memref_slice %arg20[%dma_wait3A_103, %dma_wait3A_104] : memref<21x64xf32, #tpu.memory_space<vmem_shared>> -> memref<1x64xf32, #tpu.memory_space<vmem_shared>>
          tpu.wait_dma2 semaphore(%run_scoped3A : memref<!tpu.dma_semaphore, #tpu.memory_space<semaphore_mem>>) src(%arg17 : memref<1x64xf32, #tpu.memory_space<vmem>>) dst(%dma_wait3A_105 : memref<1x64xf32, #tpu.memory_space<vmem_shared>>)
          tpu.yield
        }) : () -> ()
      } else {
      }
      %eq3A_12 = arith.constant 15 : i32
      %eq3A_13 = arith.cmpi eq, %arg1, %eq3A_12 : i32
      %convert_element_type3A_14 = arith.extui %eq3A_13 : i1 to i32
      %cond3A_15 = arith.constant 0 : i32
      %cond3A_16 = arith.cmpi ne, %convert_element_type3A_14, %cond3A_15 : i32
      scf.if %cond3A_16 {
        %dma_start3A = arith.constant 0 : i32
        %dma_start3A_22 = tpu.memref_slice %arg14[%dma_start3A] : memref<16xi32, #tpu.memory_space<vmem>> -> memref<1xi32, #tpu.memory_space<vmem>>
        %dma_start3A_23 = arith.constant 0 : i32
        %dma_start3A_24 = tpu.memref_slice %arg14[%dma_start3A_23] : memref<16xi32, #tpu.memory_space<vmem>> -> memref<1xi32, #tpu.memory_space<vmem>>
        tpu.enqueue_dma source(%arg3 : memref<1xi32, #tpu.memory_space<hbm>>) target(%dma_start3A_24 : memref<1xi32, #tpu.memory_space<vmem>>) target_semaphore(%arg24 : memref<!tpu.dma_semaphore, #tpu.memory_space<semaphore_mem>>)
        %dma_wait3A = arith.constant 0 : i32
        %dma_wait3A_25 = tpu.memref_slice %arg14[%dma_wait3A] : memref<16xi32, #tpu.memory_space<vmem>> -> memref<1xi32, #tpu.memory_space<vmem>>
        %dma_wait3A_26 = arith.constant 0 : i32
        %dma_wait3A_27 = tpu.memref_slice %arg14[%dma_wait3A_26] : memref<16xi32, #tpu.memory_space<vmem>> -> memref<1xi32, #tpu.memory_space<vmem>>
        tpu.wait_dma2 semaphore(%arg24 : memref<!tpu.dma_semaphore, #tpu.memory_space<semaphore_mem>>) src(%arg3 : memref<1xi32, #tpu.memory_space<hbm>>) dst(%dma_wait3A_27 : memref<1xi32, #tpu.memory_space<vmem>>)
        %get3A = arith.constant 0 : index
        %get3A_28 = tpu.vector_load %arg14[%get3A] {strides = array<i32>} : memref<16xi32, #tpu.memory_space<vmem>>, vector<16xi32>,
        %slice3A = vector.extract_strided_slice %get3A_28 {offsets = [0], sizes = [1], strides = [1]} : vector<16xi32> to vector<1xi32>
        %squeeze3A = vector.extract %slice3A[0] : i32 from vector<1xi32>
        %shift_right_logical3A = arith.constant 7 : i32
        %shift_right_logical3A_29 = arith.shrui %squeeze3A, %shift_right_logical3A : i32
        %shift_left3A = arith.constant 7 : i32
        %shift_left3A_30 = arith.shli %shift_right_logical3A_29, %shift_left3A : i32
        %multiple_of3A = tpu.assume_multiple %shift_left3A_30, 128 : i32
        %dma_start3A_31 = arith.constant 13 : i32
        %dma_start3A_32 = arith.constant 0 : i32
        %dma_start3A_33 = arith.constant 0 : i32
        %dma_start3A_34 = tpu.memref_slice %arg15[%dma_start3A_31, %dma_start3A_32, %dma_start3A_33] : memref<14x32x128xf32, #tpu.memory_space<vmem>> -> memref<1x32x128xf32, #tpu.memory_space<vmem>>
        %dma_start3A_35 = tpu.memref_squeeze %dma_start3A_34 : memref<1x32x128xf32, #tpu.memory_space<vmem>> -> memref<32x128xf32, #tpu.memory_space<vmem>>
        %dma_start3A_36 = arith.constant 0 : i32
        %dma_start3A_37 = tpu.memref_slice %arg6[%dma_start3A_36, %multiple_of3A] : memref<32x1000000xf32, #tpu.memory_space<hbm>> -> memref<32x128xf32, #tpu.memory_space<hbm>>
        %dma_start3A_38 = arith.constant 0 : i32
        %dma_start3A_39 = arith.constant 0 : i32
        %dma_start3A_40 = tpu.memref_slice %arg15[%dma_start3A_31, %dma_start3A_38, %dma_start3A_39] : memref<14x32x128xf32, #tpu.memory_space<vmem>> -> memref<1x32x128xf32, #tpu.memory_space<vmem>>
        %dma_start3A_41 = tpu.memref_squeeze %dma_start3A_40 : memref<1x32x128xf32, #tpu.memory_space<vmem>> -> memref<32x128xf32, #tpu.memory_space<vmem>>
        %dma_start3A_42 = arith.constant 0 : i32
        %dma_start3A_43 = tpu.memref_slice %arg6[%dma_start3A_42, %multiple_of3A] : memref<32x1000000xf32, #tpu.memory_space<hbm>> -> memref<32x128xf32, #tpu.memory_space<hbm>>
        tpu.enqueue_dma source(%dma_start3A_43 : memref<32x128xf32, #tpu.memory_space<hbm>>) target(%dma_start3A_41 : memref<32x128xf32, #tpu.memory_space<vmem>>) target_semaphore(%arg23 : memref<!tpu.dma_semaphore, #tpu.memory_space<semaphore_mem>>)
        %and3A = arith.constant 127 : i32
        %and3A_44 = arith.andi %squeeze3A, %and3A : i32
        %shift_right_logical3A_45 = arith.constant 4 : i32
        %shift_right_logical3A_46 = arith.shrui %squeeze3A, %shift_right_logical3A_45 : i32
        %shift_left3A_47 = arith.constant 4 : i32
        %shift_left3A_48 = arith.shli %shift_right_logical3A_46, %shift_left3A_47 : i32
        %multiple_of3A_49 = tpu.assume_multiple %shift_left3A_48, 16 : i32
        %dma_start3A_50 = tpu.memref_slice %arg8[%multiple_of3A_49] : memref<1000000xf32, #tpu.memory_space<hbm>> -> memref<16xf32, #tpu.memory_space<hbm>>
        %dma_start3A_51 = tpu.memref_slice %arg8[%multiple_of3A_49] : memref<1000000xf32, #tpu.memory_space<hbm>> -> memref<16xf32, #tpu.memory_space<hbm>>
        tpu.enqueue_dma source(%dma_start3A_51 : memref<16xf32, #tpu.memory_space<hbm>>) target(%arg16 : memref<16xf32, #tpu.memory_space<vmem>>) target_semaphore(%arg26 : memref<!tpu.dma_semaphore, #tpu.memory_space<semaphore_mem>>)
        %dma_wait3A_52 = arith.constant 13 : i32
        %dma_wait3A_53 = arith.constant 0 : i32
        %dma_wait3A_54 = arith.constant 0 : i32
        %dma_wait3A_55 = tpu.memref_slice %arg15[%dma_wait3A_52, %dma_wait3A_53, %dma_wait3A_54] : memref<14x32x128xf32, #tpu.memory_space<vmem>> -> memref<1x32x128xf32, #tpu.memory_space<vmem>>
        %dma_wait3A_56 = tpu.memref_squeeze %dma_wait3A_55 : memref<1x32x128xf32, #tpu.memory_space<vmem>> -> memref<32x128xf32, #tpu.memory_space<vmem>>
        %dma_wait3A_57 = arith.constant 0 : i32
        %dma_wait3A_58 = tpu.memref_slice %arg6[%dma_wait3A_57, %multiple_of3A] : memref<32x1000000xf32, #tpu.memory_space<hbm>> -> memref<32x128xf32, #tpu.memory_space<hbm>>
        %dma_wait3A_59 = arith.constant 0 : i32
        %dma_wait3A_60 = arith.constant 0 : i32
        %dma_wait3A_61 = tpu.memref_slice %arg15[%dma_wait3A_52, %dma_wait3A_59, %dma_wait3A_60] : memref<14x32x128xf32, #tpu.memory_space<vmem>> -> memref<1x32x128xf32, #tpu.memory_space<vmem>>
        %dma_wait3A_62 = tpu.memref_squeeze %dma_wait3A_61 : memref<1x32x128xf32, #tpu.memory_space<vmem>> -> memref<32x128xf32, #tpu.memory_space<vmem>>
        %dma_wait3A_63 = arith.constant 0 : i32
        %dma_wait3A_64 = tpu.memref_slice %arg6[%dma_wait3A_63, %multiple_of3A] : memref<32x1000000xf32, #tpu.memory_space<hbm>> -> memref<32x128xf32, #tpu.memory_space<hbm>>
        tpu.wait_dma2 semaphore(%arg23 : memref<!tpu.dma_semaphore, #tpu.memory_space<semaphore_mem>>) src(%dma_wait3A_64 : memref<32x128xf32, #tpu.memory_space<hbm>>) dst(%dma_wait3A_62 : memref<32x128xf32, #tpu.memory_space<vmem>>)
        %dma_wait3A_65 = tpu.memref_slice %arg8[%multiple_of3A_49] : memref<1000000xf32, #tpu.memory_space<hbm>> -> memref<16xf32, #tpu.memory_space<hbm>>
        %dma_wait3A_66 = tpu.memref_slice %arg8[%multiple_of3A_49] : memref<1000000xf32, #tpu.memory_space<hbm>> -> memref<16xf32, #tpu.memory_space<hbm>>
        tpu.wait_dma2 semaphore(%arg26 : memref<!tpu.dma_semaphore, #tpu.memory_space<semaphore_mem>>) src(%dma_wait3A_66 : memref<16xf32, #tpu.memory_space<hbm>>) dst(%arg16 : memref<16xf32, #tpu.memory_space<vmem>>)
        %broadcast_in_dim3A_67 = vector.broadcast %and3A_44 : i32 to vector<16xi32>
        %broadcast_in_dim3A_68 = arith.constant 13 : i32
        %broadcast_in_dim3A_69 = vector.broadcast %broadcast_in_dim3A_68 : i32 to vector<16xi32>
        %gather3A = tpu.vector_load_idx %arg15[%broadcast_in_dim3A_69, %iota3A, %broadcast_in_dim3A_67] : memref<14x32x128xf32, #tpu.memory_space<vmem>>[vector<16xi32>, vector<16xi32>, vector<16xi32>], vector<16xf32>,
        %add3A = arith.constant 16 : i32
        %add3A_70 = vector.broadcast %add3A : i32 to vector<16xi32>
        %add3A_71 = arith.addi %iota3A, %add3A_70 : vector<16xi32>
        %gather3A_72 = tpu.vector_load_idx %arg15[%broadcast_in_dim3A_69, %add3A_71, %broadcast_in_dim3A_67] : memref<14x32x128xf32, #tpu.memory_space<vmem>>[vector<16xi32>, vector<16xi32>, vector<16xi32>], vector<16xf32>,
        %swap3A = arith.constant 0 : i32
        %swap3A_73 = arith.index_cast %swap3A : i32 to index
        %swap3A_74 = arith.constant 16 : index
        %swap3A_75 = tpu.vector_load %arg17[%swap3A_73, %swap3A_74] {strides = array<i32>} : memref<1x64xf32, #tpu.memory_space<vmem>>, vector<16xf32>,
        tpu.vector_store %arg17[%swap3A_73, %swap3A_74], %gather3A {strides = array<i32>} : memref<1x64xf32, #tpu.memory_space<vmem>>, vector<16xf32>,
        %swap3A_76 = arith.constant 0 : i32
        %swap3A_77 = arith.index_cast %swap3A_76 : i32 to index
        %swap3A_78 = arith.constant 32 : index
        %swap3A_79 = tpu.vector_load %arg17[%swap3A_77, %swap3A_78] {strides = array<i32>} : memref<1x64xf32, #tpu.memory_space<vmem>>, vector<16xf32>,
        tpu.vector_store %arg17[%swap3A_77, %swap3A_78], %gather3A_72 {strides = array<i32>} : memref<1x64xf32, #tpu.memory_space<vmem>>, vector<16xf32>,
        "tpu.region"() ({
          %run_scoped3A = tpu.sem_alloc : memref<!tpu.dma_semaphore, #tpu.memory_space<semaphore_mem>>
          %dma_start3A_94 = arith.constant 18 : i32
          %dma_start3A_95 = arith.constant 0 : i32
          %dma_start3A_96 = tpu.memref_slice %arg20[%dma_start3A_94, %dma_start3A_95] : memref<21x64xf32, #tpu.memory_space<vmem_shared>> -> memref<1x64xf32, #tpu.memory_space<vmem_shared>>
          %dma_start3A_97 = arith.constant 18 : i32
          %dma_start3A_98 = arith.constant 0 : i32
          %dma_start3A_99 = tpu.memref_slice %arg20[%dma_start3A_97, %dma_start3A_98] : memref<21x64xf32, #tpu.memory_space<vmem_shared>> -> memref<1x64xf32, #tpu.memory_space<vmem_shared>>
          tpu.enqueue_dma source(%arg17 : memref<1x64xf32, #tpu.memory_space<vmem>>) target(%dma_start3A_99 : memref<1x64xf32, #tpu.memory_space<vmem_shared>>) target_semaphore(%run_scoped3A : memref<!tpu.dma_semaphore, #tpu.memory_space<semaphore_mem>>)
          %dma_wait3A_100 = arith.constant 18 : i32
          %dma_wait3A_101 = arith.constant 0 : i32
          %dma_wait3A_102 = tpu.memref_slice %arg20[%dma_wait3A_100, %dma_wait3A_101] : memref<21x64xf32, #tpu.memory_space<vmem_shared>> -> memref<1x64xf32, #tpu.memory_space<vmem_shared>>
          %dma_wait3A_103 = arith.constant 18 : i32
          %dma_wait3A_104 = arith.constant 0 : i32
          %dma_wait3A_105 = tpu.memref_slice %arg20[%dma_wait3A_103, %dma_wait3A_104] : memref<21x64xf32, #tpu.memory_space<vmem_shared>> -> memref<1x64xf32, #tpu.memory_space<vmem_shared>>
          tpu.wait_dma2 semaphore(%run_scoped3A : memref<!tpu.dma_semaphore, #tpu.memory_space<semaphore_mem>>) src(%arg17 : memref<1x64xf32, #tpu.memory_space<vmem>>) dst(%dma_wait3A_105 : memref<1x64xf32, #tpu.memory_space<vmem_shared>>)
          tpu.yield
        }) : () -> ()
        %and3A_80 = arith.constant 15 : i32
        %and3A_81 = arith.andi %squeeze3A, %and3A_80 : i32
        %eq3A_82 = vector.broadcast %and3A_81 : i32 to vector<16xi32>
        %eq3A_83 = arith.cmpi eq, %iota3A, %eq3A_82 : vector<16xi32>
        %get3A_84 = arith.constant 0 : index
        %get3A_85 = tpu.vector_load %arg16[%get3A_84] {strides = array<i32>} : memref<16xf32, #tpu.memory_space<vmem>>, vector<16xf32>,
        %select_n3A = arith.select %eq3A_83, %get3A_85, %broadcast_in_dim3A_2 : vector<16xi1>, vector<16xf32>
        %swap3A_86 = arith.constant 0 : i32
        %swap3A_87 = arith.index_cast %swap3A_86 : i32 to index
        %swap3A_88 = arith.constant 16 : index
        %swap3A_89 = tpu.vector_load %arg17[%swap3A_87, %swap3A_88] {strides = array<i32>} : memref<1x64xf32, #tpu.memory_space<vmem>>, vector<16xf32>,
        tpu.vector_store %arg17[%swap3A_87, %swap3A_88], %select_n3A {strides = array<i32>} : memref<1x64xf32, #tpu.memory_space<vmem>>, vector<16xf32>,
        %swap3A_90 = arith.constant 0 : i32
        %swap3A_91 = arith.index_cast %swap3A_90 : i32 to index
        %swap3A_92 = arith.constant 32 : index
        %swap3A_93 = tpu.vector_load %arg17[%swap3A_91, %swap3A_92] {strides = array<i32>} : memref<1x64xf32, #tpu.memory_space<vmem>>, vector<16xf32>,
        tpu.vector_store %arg17[%swap3A_91, %swap3A_92], %broadcast_in_dim3A_2 {strides = array<i32>} : memref<1x64xf32, #tpu.memory_space<vmem>>, vector<16xf32>,
        "tpu.region"() ({
          %run_scoped3A = tpu.sem_alloc : memref<!tpu.dma_semaphore, #tpu.memory_space<semaphore_mem>>
          %dma_start3A_94 = arith.constant 20 : i32
          %dma_start3A_95 = arith.constant 0 : i32
          %dma_start3A_96 = tpu.memref_slice %arg20[%dma_start3A_94, %dma_start3A_95] : memref<21x64xf32, #tpu.memory_space<vmem_shared>> -> memref<1x64xf32, #tpu.memory_space<vmem_shared>>
          %dma_start3A_97 = arith.constant 20 : i32
          %dma_start3A_98 = arith.constant 0 : i32
          %dma_start3A_99 = tpu.memref_slice %arg20[%dma_start3A_97, %dma_start3A_98] : memref<21x64xf32, #tpu.memory_space<vmem_shared>> -> memref<1x64xf32, #tpu.memory_space<vmem_shared>>
          tpu.enqueue_dma source(%arg17 : memref<1x64xf32, #tpu.memory_space<vmem>>) target(%dma_start3A_99 : memref<1x64xf32, #tpu.memory_space<vmem_shared>>) target_semaphore(%run_scoped3A : memref<!tpu.dma_semaphore, #tpu.memory_space<semaphore_mem>>)
          %dma_wait3A_100 = arith.constant 20 : i32
          %dma_wait3A_101 = arith.constant 0 : i32
          %dma_wait3A_102 = tpu.memref_slice %arg20[%dma_wait3A_100, %dma_wait3A_101] : memref<21x64xf32, #tpu.memory_space<vmem_shared>> -> memref<1x64xf32, #tpu.memory_space<vmem_shared>>
          %dma_wait3A_103 = arith.constant 20 : i32
          %dma_wait3A_104 = arith.constant 0 : i32
          %dma_wait3A_105 = tpu.memref_slice %arg20[%dma_wait3A_103, %dma_wait3A_104] : memref<21x64xf32, #tpu.memory_space<vmem_shared>> -> memref<1x64xf32, #tpu.memory_space<vmem_shared>>
          tpu.wait_dma2 semaphore(%run_scoped3A : memref<!tpu.dma_semaphore, #tpu.memory_space<semaphore_mem>>) src(%arg17 : memref<1x64xf32, #tpu.memory_space<vmem>>) dst(%dma_wait3A_105 : memref<1x64xf32, #tpu.memory_space<vmem_shared>>)
          tpu.yield
        }) : () -> ()
      } else {
      }
      %barrier3A = arith.constant 0 : index
      tpu.barrier barrier_id(%barrier3A)
      %eq3A_17 = arith.constant 0 : i32
      %eq3A_18 = arith.cmpi eq, %arg1, %eq3A_17 : i32
      %convert_element_type3A_19 = arith.extui %eq3A_18 : i1 to i32
      %cond3A_20 = arith.constant 0 : i32
      %cond3A_21 = arith.cmpi ne, %convert_element_type3A_19, %cond3A_20 : i32
      scf.if %cond3A_21 {
        tpu.enqueue_dma source(%arg10 : memref<1x32xf32, #tpu.memory_space<hbm>>) target(%arg18 : memref<1x32xf32, #tpu.memory_space<vmem>>) target_semaphore(%arg25 : memref<!tpu.dma_semaphore, #tpu.memory_space<semaphore_mem>>)
        %dma_start3A = arith.constant 0 : i32
        %dma_start3A_22 = tpu.memref_slice %arg19[%dma_start3A] : memref<16xf32, #tpu.memory_space<vmem>> -> memref<1xf32, #tpu.memory_space<vmem>>
        %dma_start3A_23 = arith.constant 0 : i32
        %dma_start3A_24 = tpu.memref_slice %arg19[%dma_start3A_23] : memref<16xf32, #tpu.memory_space<vmem>> -> memref<1xf32, #tpu.memory_space<vmem>>
        tpu.enqueue_dma source(%arg11 : memref<1xf32, #tpu.memory_space<hbm>>) target(%dma_start3A_24 : memref<1xf32, #tpu.memory_space<vmem>>) target_semaphore(%arg26 : memref<!tpu.dma_semaphore, #tpu.memory_space<semaphore_mem>>)
        "tpu.region"() ({
          %run_scoped3A = tpu.sem_alloc : memref<!tpu.dma_semaphore, #tpu.memory_space<semaphore_mem>>
          tpu.enqueue_dma source(%arg20 : memref<21x64xf32, #tpu.memory_space<vmem_shared>>) target(%arg21 : memref<21x64xf32, #tpu.memory_space<vmem>>) target_semaphore(%run_scoped3A : memref<!tpu.dma_semaphore, #tpu.memory_space<semaphore_mem>>)
          tpu.wait_dma2 semaphore(%run_scoped3A : memref<!tpu.dma_semaphore, #tpu.memory_space<semaphore_mem>>) src(%arg20 : memref<21x64xf32, #tpu.memory_space<vmem_shared>>) dst(%arg21 : memref<21x64xf32, #tpu.memory_space<vmem>>)
          tpu.yield
        }) : () -> ()
        %get3A = arith.constant 0 : i32
        %get3A_25 = arith.index_cast %get3A : i32 to index
        %get3A_26 = arith.constant 16 : index
        %get3A_27 = tpu.vector_load %arg21[%get3A_25, %get3A_26] {strides = array<i32>} : memref<21x64xf32, #tpu.memory_space<vmem>>, vector<16xf32>,
        %add3A = arith.addf %broadcast_in_dim3A_2, %get3A_27 : vector<16xf32>
        %get3A_28 = arith.constant 0 : i32
        %get3A_29 = arith.index_cast %get3A_28 : i32 to index
        %get3A_30 = arith.constant 32 : index
        %get3A_31 = tpu.vector_load %arg21[%get3A_29, %get3A_30] {strides = array<i32>} : memref<21x64xf32, #tpu.memory_space<vmem>>, vector<16xf32>,
        %add3A_32 = arith.addf %broadcast_in_dim3A_2, %get3A_31 : vector<16xf32>
        %get3A_33 = arith.constant 1 : i32
        %get3A_34 = arith.index_cast %get3A_33 : i32 to index
        %get3A_35 = arith.constant 16 : index
        %get3A_36 = tpu.vector_load %arg21[%get3A_34, %get3A_35] {strides = array<i32>} : memref<21x64xf32, #tpu.memory_space<vmem>>, vector<16xf32>,
        %add3A_37 = arith.addf %add3A, %get3A_36 : vector<16xf32>
        %get3A_38 = arith.constant 1 : i32
        %get3A_39 = arith.index_cast %get3A_38 : i32 to index
        %get3A_40 = arith.constant 32 : index
        %get3A_41 = tpu.vector_load %arg21[%get3A_39, %get3A_40] {strides = array<i32>} : memref<21x64xf32, #tpu.memory_space<vmem>>, vector<16xf32>,
        %add3A_42 = arith.addf %add3A_32, %get3A_41 : vector<16xf32>
        %get3A_43 = arith.constant 2 : i32
        %get3A_44 = arith.index_cast %get3A_43 : i32 to index
        %get3A_45 = arith.constant 16 : index
        %get3A_46 = tpu.vector_load %arg21[%get3A_44, %get3A_45] {strides = array<i32>} : memref<21x64xf32, #tpu.memory_space<vmem>>, vector<16xf32>,
        %add3A_47 = arith.addf %add3A_37, %get3A_46 : vector<16xf32>
        %get3A_48 = arith.constant 2 : i32
        %get3A_49 = arith.index_cast %get3A_48 : i32 to index
        %get3A_50 = arith.constant 32 : index
        %get3A_51 = tpu.vector_load %arg21[%get3A_49, %get3A_50] {strides = array<i32>} : memref<21x64xf32, #tpu.memory_space<vmem>>, vector<16xf32>,
        %add3A_52 = arith.addf %add3A_42, %get3A_51 : vector<16xf32>
        %get3A_53 = arith.constant 3 : i32
        %get3A_54 = arith.index_cast %get3A_53 : i32 to index
        %get3A_55 = arith.constant 16 : index
        %get3A_56 = tpu.vector_load %arg21[%get3A_54, %get3A_55] {strides = array<i32>} : memref<21x64xf32, #tpu.memory_space<vmem>>, vector<16xf32>,
        %add3A_57 = arith.addf %add3A_47, %get3A_56 : vector<16xf32>
        %get3A_58 = arith.constant 3 : i32
        %get3A_59 = arith.index_cast %get3A_58 : i32 to index
        %get3A_60 = arith.constant 32 : index
        %get3A_61 = tpu.vector_load %arg21[%get3A_59, %get3A_60] {strides = array<i32>} : memref<21x64xf32, #tpu.memory_space<vmem>>, vector<16xf32>,
        %add3A_62 = arith.addf %add3A_52, %get3A_61 : vector<16xf32>
        %get3A_63 = arith.constant 4 : i32
        %get3A_64 = arith.index_cast %get3A_63 : i32 to index
        %get3A_65 = arith.constant 16 : index
        %get3A_66 = tpu.vector_load %arg21[%get3A_64, %get3A_65] {strides = array<i32>} : memref<21x64xf32, #tpu.memory_space<vmem>>, vector<16xf32>,
        %add3A_67 = arith.addf %add3A_57, %get3A_66 : vector<16xf32>
        %get3A_68 = arith.constant 4 : i32
        %get3A_69 = arith.index_cast %get3A_68 : i32 to index
        %get3A_70 = arith.constant 32 : index
        %get3A_71 = tpu.vector_load %arg21[%get3A_69, %get3A_70] {strides = array<i32>} : memref<21x64xf32, #tpu.memory_space<vmem>>, vector<16xf32>,
        %add3A_72 = arith.addf %add3A_62, %get3A_71 : vector<16xf32>
        %get3A_73 = arith.constant 5 : i32
        %get3A_74 = arith.index_cast %get3A_73 : i32 to index
        %get3A_75 = arith.constant 16 : index
        %get3A_76 = tpu.vector_load %arg21[%get3A_74, %get3A_75] {strides = array<i32>} : memref<21x64xf32, #tpu.memory_space<vmem>>, vector<16xf32>,
        %add3A_77 = arith.addf %add3A_67, %get3A_76 : vector<16xf32>
        %get3A_78 = arith.constant 5 : i32
        %get3A_79 = arith.index_cast %get3A_78 : i32 to index
        %get3A_80 = arith.constant 32 : index
        %get3A_81 = tpu.vector_load %arg21[%get3A_79, %get3A_80] {strides = array<i32>} : memref<21x64xf32, #tpu.memory_space<vmem>>, vector<16xf32>,
        %add3A_82 = arith.addf %add3A_72, %get3A_81 : vector<16xf32>
        %get3A_83 = arith.constant 6 : i32
        %get3A_84 = arith.index_cast %get3A_83 : i32 to index
        %get3A_85 = arith.constant 16 : index
        %get3A_86 = tpu.vector_load %arg21[%get3A_84, %get3A_85] {strides = array<i32>} : memref<21x64xf32, #tpu.memory_space<vmem>>, vector<16xf32>,
        %add3A_87 = arith.addf %add3A_77, %get3A_86 : vector<16xf32>
        %get3A_88 = arith.constant 6 : i32
        %get3A_89 = arith.index_cast %get3A_88 : i32 to index
        %get3A_90 = arith.constant 32 : index
        %get3A_91 = tpu.vector_load %arg21[%get3A_89, %get3A_90] {strides = array<i32>} : memref<21x64xf32, #tpu.memory_space<vmem>>, vector<16xf32>,
        %add3A_92 = arith.addf %add3A_82, %get3A_91 : vector<16xf32>
        %get3A_93 = arith.constant 7 : i32
        %get3A_94 = arith.index_cast %get3A_93 : i32 to index
        %get3A_95 = arith.constant 16 : index
        %get3A_96 = tpu.vector_load %arg21[%get3A_94, %get3A_95] {strides = array<i32>} : memref<21x64xf32, #tpu.memory_space<vmem>>, vector<16xf32>,
        %add3A_97 = arith.addf %add3A_87, %get3A_96 : vector<16xf32>
        %get3A_98 = arith.constant 7 : i32
        %get3A_99 = arith.index_cast %get3A_98 : i32 to index
        %get3A_100 = arith.constant 32 : index
        %get3A_101 = tpu.vector_load %arg21[%get3A_99, %get3A_100] {strides = array<i32>} : memref<21x64xf32, #tpu.memory_space<vmem>>, vector<16xf32>,
        %add3A_102 = arith.addf %add3A_92, %get3A_101 : vector<16xf32>
        %get3A_103 = arith.constant 8 : i32
        %get3A_104 = arith.index_cast %get3A_103 : i32 to index
        %get3A_105 = arith.constant 16 : index
        %get3A_106 = tpu.vector_load %arg21[%get3A_104, %get3A_105] {strides = array<i32>} : memref<21x64xf32, #tpu.memory_space<vmem>>, vector<16xf32>,
        %add3A_107 = arith.addf %add3A_97, %get3A_106 : vector<16xf32>
        %get3A_108 = arith.constant 8 : i32
        %get3A_109 = arith.index_cast %get3A_108 : i32 to index
        %get3A_110 = arith.constant 32 : index
        %get3A_111 = tpu.vector_load %arg21[%get3A_109, %get3A_110] {strides = array<i32>} : memref<21x64xf32, #tpu.memory_space<vmem>>, vector<16xf32>,
        %add3A_112 = arith.addf %add3A_102, %get3A_111 : vector<16xf32>
        %get3A_113 = arith.constant 9 : i32
        %get3A_114 = arith.index_cast %get3A_113 : i32 to index
        %get3A_115 = arith.constant 16 : index
        %get3A_116 = tpu.vector_load %arg21[%get3A_114, %get3A_115] {strides = array<i32>} : memref<21x64xf32, #tpu.memory_space<vmem>>, vector<16xf32>,
        %add3A_117 = arith.addf %add3A_107, %get3A_116 : vector<16xf32>
        %get3A_118 = arith.constant 9 : i32
        %get3A_119 = arith.index_cast %get3A_118 : i32 to index
        %get3A_120 = arith.constant 32 : index
        %get3A_121 = tpu.vector_load %arg21[%get3A_119, %get3A_120] {strides = array<i32>} : memref<21x64xf32, #tpu.memory_space<vmem>>, vector<16xf32>,
        %add3A_122 = arith.addf %add3A_112, %get3A_121 : vector<16xf32>
        %get3A_123 = arith.constant 10 : i32
        %get3A_124 = arith.index_cast %get3A_123 : i32 to index
        %get3A_125 = arith.constant 16 : index
        %get3A_126 = tpu.vector_load %arg21[%get3A_124, %get3A_125] {strides = array<i32>} : memref<21x64xf32, #tpu.memory_space<vmem>>, vector<16xf32>,
        %add3A_127 = arith.addf %add3A_117, %get3A_126 : vector<16xf32>
        %get3A_128 = arith.constant 10 : i32
        %get3A_129 = arith.index_cast %get3A_128 : i32 to index
        %get3A_130 = arith.constant 32 : index
        %get3A_131 = tpu.vector_load %arg21[%get3A_129, %get3A_130] {strides = array<i32>} : memref<21x64xf32, #tpu.memory_space<vmem>>, vector<16xf32>,
        %add3A_132 = arith.addf %add3A_122, %get3A_131 : vector<16xf32>
        %get3A_133 = arith.constant 11 : i32
        %get3A_134 = arith.index_cast %get3A_133 : i32 to index
        %get3A_135 = arith.constant 16 : index
        %get3A_136 = tpu.vector_load %arg21[%get3A_134, %get3A_135] {strides = array<i32>} : memref<21x64xf32, #tpu.memory_space<vmem>>, vector<16xf32>,
        %add3A_137 = arith.addf %add3A_127, %get3A_136 : vector<16xf32>
        %get3A_138 = arith.constant 11 : i32
        %get3A_139 = arith.index_cast %get3A_138 : i32 to index
        %get3A_140 = arith.constant 32 : index
        %get3A_141 = tpu.vector_load %arg21[%get3A_139, %get3A_140] {strides = array<i32>} : memref<21x64xf32, #tpu.memory_space<vmem>>, vector<16xf32>,
        %add3A_142 = arith.addf %add3A_132, %get3A_141 : vector<16xf32>
        %get3A_143 = arith.constant 12 : i32
        %get3A_144 = arith.index_cast %get3A_143 : i32 to index
        %get3A_145 = arith.constant 16 : index
        %get3A_146 = tpu.vector_load %arg21[%get3A_144, %get3A_145] {strides = array<i32>} : memref<21x64xf32, #tpu.memory_space<vmem>>, vector<16xf32>,
        %add3A_147 = arith.addf %add3A_137, %get3A_146 : vector<16xf32>
        %get3A_148 = arith.constant 12 : i32
        %get3A_149 = arith.index_cast %get3A_148 : i32 to index
        %get3A_150 = arith.constant 32 : index
        %get3A_151 = tpu.vector_load %arg21[%get3A_149, %get3A_150] {strides = array<i32>} : memref<21x64xf32, #tpu.memory_space<vmem>>, vector<16xf32>,
        %add3A_152 = arith.addf %add3A_142, %get3A_151 : vector<16xf32>
        %get3A_153 = arith.constant 13 : i32
        %get3A_154 = arith.index_cast %get3A_153 : i32 to index
        %get3A_155 = arith.constant 16 : index
        %get3A_156 = tpu.vector_load %arg21[%get3A_154, %get3A_155] {strides = array<i32>} : memref<21x64xf32, #tpu.memory_space<vmem>>, vector<16xf32>,
        %add3A_157 = arith.addf %add3A_147, %get3A_156 : vector<16xf32>
        %get3A_158 = arith.constant 13 : i32
        %get3A_159 = arith.index_cast %get3A_158 : i32 to index
        %get3A_160 = arith.constant 32 : index
        %get3A_161 = tpu.vector_load %arg21[%get3A_159, %get3A_160] {strides = array<i32>} : memref<21x64xf32, #tpu.memory_space<vmem>>, vector<16xf32>,
        %add3A_162 = arith.addf %add3A_152, %get3A_161 : vector<16xf32>
        %get3A_163 = arith.constant 14 : i32
        %get3A_164 = arith.index_cast %get3A_163 : i32 to index
        %get3A_165 = arith.constant 16 : index
        %get3A_166 = tpu.vector_load %arg21[%get3A_164, %get3A_165] {strides = array<i32>} : memref<21x64xf32, #tpu.memory_space<vmem>>, vector<16xf32>,
        %add3A_167 = arith.addf %add3A_157, %get3A_166 : vector<16xf32>
        %get3A_168 = arith.constant 14 : i32
        %get3A_169 = arith.index_cast %get3A_168 : i32 to index
        %get3A_170 = arith.constant 32 : index
        %get3A_171 = tpu.vector_load %arg21[%get3A_169, %get3A_170] {strides = array<i32>} : memref<21x64xf32, #tpu.memory_space<vmem>>, vector<16xf32>,
        %add3A_172 = arith.addf %add3A_162, %get3A_171 : vector<16xf32>
        %get3A_173 = arith.constant 15 : i32
        %get3A_174 = arith.index_cast %get3A_173 : i32 to index
        %get3A_175 = arith.constant 16 : index
        %get3A_176 = tpu.vector_load %arg21[%get3A_174, %get3A_175] {strides = array<i32>} : memref<21x64xf32, #tpu.memory_space<vmem>>, vector<16xf32>,
        %add3A_177 = arith.addf %add3A_167, %get3A_176 : vector<16xf32>
        %get3A_178 = arith.constant 15 : i32
        %get3A_179 = arith.index_cast %get3A_178 : i32 to index
        %get3A_180 = arith.constant 32 : index
        %get3A_181 = tpu.vector_load %arg21[%get3A_179, %get3A_180] {strides = array<i32>} : memref<21x64xf32, #tpu.memory_space<vmem>>, vector<16xf32>,
        %add3A_182 = arith.addf %add3A_172, %get3A_181 : vector<16xf32>
        tpu.wait_dma2 semaphore(%arg25 : memref<!tpu.dma_semaphore, #tpu.memory_space<semaphore_mem>>) src(%arg10 : memref<1x32xf32, #tpu.memory_space<hbm>>) dst(%arg18 : memref<1x32xf32, #tpu.memory_space<vmem>>)
        %dma_wait3A = arith.constant 0 : i32
        %dma_wait3A_183 = tpu.memref_slice %arg19[%dma_wait3A] : memref<16xf32, #tpu.memory_space<vmem>> -> memref<1xf32, #tpu.memory_space<vmem>>
        %dma_wait3A_184 = arith.constant 0 : i32
        %dma_wait3A_185 = tpu.memref_slice %arg19[%dma_wait3A_184] : memref<16xf32, #tpu.memory_space<vmem>> -> memref<1xf32, #tpu.memory_space<vmem>>
        tpu.wait_dma2 semaphore(%arg26 : memref<!tpu.dma_semaphore, #tpu.memory_space<semaphore_mem>>) src(%arg11 : memref<1xf32, #tpu.memory_space<hbm>>) dst(%dma_wait3A_185 : memref<1xf32, #tpu.memory_space<vmem>>)
        %get3A_186 = arith.constant 17 : i32
        %get3A_187 = arith.index_cast %get3A_186 : i32 to index
        %get3A_188 = arith.constant 16 : index
        %get3A_189 = tpu.vector_load %arg21[%get3A_187, %get3A_188] {strides = array<i32>} : memref<21x64xf32, #tpu.memory_space<vmem>>, vector<16xf32>,
        %mul3A = arith.constant 0.0707106814 : f32
        %mul3A_190 = vector.broadcast %mul3A : f32 to vector<16xf32>
        %mul3A_191 = arith.mulf %add3A_177, %mul3A_190 : vector<16xf32>
        %add3A_192 = arith.addf %get3A_189, %mul3A_191 : vector<16xf32>
        %get3A_193 = arith.constant 17 : i32
        %get3A_194 = arith.index_cast %get3A_193 : i32 to index
        %get3A_195 = arith.constant 32 : index
        %get3A_196 = tpu.vector_load %arg21[%get3A_194, %get3A_195] {strides = array<i32>} : memref<21x64xf32, #tpu.memory_space<vmem>>, vector<16xf32>,
        %mul3A_197 = arith.constant 0.0707106814 : f32
        %mul3A_198 = vector.broadcast %mul3A_197 : f32 to vector<16xf32>
        %mul3A_199 = arith.mulf %add3A_182, %mul3A_198 : vector<16xf32>
        %add3A_200 = arith.addf %get3A_196, %mul3A_199 : vector<16xf32>
        %get3A_201 = arith.constant 18 : i32
        %get3A_202 = arith.index_cast %get3A_201 : i32 to index
        %get3A_203 = arith.constant 16 : index
        %get3A_204 = tpu.vector_load %arg21[%get3A_202, %get3A_203] {strides = array<i32>} : memref<21x64xf32, #tpu.memory_space<vmem>>, vector<16xf32>,
        %mul3A_205 = arith.mulf %add3A_192, %get3A_204 : vector<16xf32>
        %get3A_206 = arith.constant 0 : i32
        %get3A_207 = arith.index_cast %get3A_206 : i32 to index
        %get3A_208 = arith.constant 0 : index
        %get3A_209 = tpu.vector_load %arg18[%get3A_207, %get3A_208] {strides = array<i32>} : memref<1x32xf32, #tpu.memory_space<vmem>>, vector<16xf32>,
        %mul3A_210 = arith.mulf %mul3A_205, %get3A_209 : vector<16xf32>
        %get3A_211 = arith.constant 18 : i32
        %get3A_212 = arith.index_cast %get3A_211 : i32 to index
        %get3A_213 = arith.constant 32 : index
        %get3A_214 = tpu.vector_load %arg21[%get3A_212, %get3A_213] {strides = array<i32>} : memref<21x64xf32, #tpu.memory_space<vmem>>, vector<16xf32>,
        %mul3A_215 = arith.mulf %add3A_200, %get3A_214 : vector<16xf32>
        %get3A_216 = arith.constant 0 : i32
        %get3A_217 = arith.index_cast %get3A_216 : i32 to index
        %get3A_218 = arith.constant 16 : index
        %get3A_219 = tpu.vector_load %arg18[%get3A_217, %get3A_218] {strides = array<i32>} : memref<1x32xf32, #tpu.memory_space<vmem>>, vector<16xf32>,
        %mul3A_220 = arith.mulf %mul3A_215, %get3A_219 : vector<16xf32>
        %add3A_221 = arith.addf %mul3A_210, %mul3A_220 : vector<16xf32>
        %reduce_sum3A = arith.constant true
        %reduce_sum3A_222 = vector.broadcast %reduce_sum3A : i1 to vector<16xi1>
        %reduce_sum3A_223 = tpu.scan <sum>, %add3A_221 masked %reduce_sum3A_222 : vector<16xf32>, vector<16xi1> -> vector<16xf32>
        %reduce_sum3A_224 = vector.extract %reduce_sum3A_223[15] : f32 from vector<16xf32>
        %get3A_225 = arith.constant 19 : i32
        %get3A_226 = arith.index_cast %get3A_225 : i32 to index
        %get3A_227 = arith.constant 16 : index
        %get3A_228 = tpu.vector_load %arg21[%get3A_226, %get3A_227] {strides = array<i32>} : memref<21x64xf32, #tpu.memory_space<vmem>>, vector<16xf32>,
        %reduce_sum3A_229 = arith.constant true
        %reduce_sum3A_230 = vector.broadcast %reduce_sum3A_229 : i1 to vector<16xi1>
        %reduce_sum3A_231 = tpu.scan <sum>, %get3A_228 masked %reduce_sum3A_230 : vector<16xf32>, vector<16xi1> -> vector<16xf32>
        %reduce_sum3A_232 = vector.extract %reduce_sum3A_231[15] : f32 from vector<16xf32>
        %get3A_233 = arith.constant 20 : i32
        %get3A_234 = arith.index_cast %get3A_233 : i32 to index
        %get3A_235 = arith.constant 16 : index
        %get3A_236 = tpu.vector_load %arg21[%get3A_234, %get3A_235] {strides = array<i32>} : memref<21x64xf32, #tpu.memory_space<vmem>>, vector<16xf32>,
        %reduce_sum3A_237 = arith.constant true
        %reduce_sum3A_238 = vector.broadcast %reduce_sum3A_237 : i1 to vector<16xi1>
        %reduce_sum3A_239 = tpu.scan <sum>, %get3A_236 masked %reduce_sum3A_238 : vector<16xf32>, vector<16xi1> -> vector<16xf32>
        %reduce_sum3A_240 = vector.extract %reduce_sum3A_239[15] : f32 from vector<16xf32>
        %get3A_241 = arith.constant 0 : index
        %get3A_242 = tpu.vector_load %arg19[%get3A_241] {strides = array<i32>} : memref<16xf32, #tpu.memory_space<vmem>>, vector<16xf32>,
        %slice3A = vector.extract_strided_slice %get3A_242 {offsets = [0], sizes = [1], strides = [1]} : vector<16xf32> to vector<1xf32>
        %squeeze3A = vector.extract %slice3A[0] : f32 from vector<1xf32>
        %add3A_243 = arith.addf %reduce_sum3A_224, %squeeze3A : f32
        %add3A_244 = arith.constant 3.500000e+00 : f32
        %add3A_245 = arith.addf %add3A_243, %add3A_244 : f32
        %add3A_246 = arith.addf %add3A_245, %reduce_sum3A_232 : f32
        %add3A_247 = arith.addf %add3A_246, %reduce_sum3A_240 : f32
        %broadcast_in_dim3A_248 = vector.broadcast %add3A_247 : f32 to vector<16xf32>
        %swap3A = arith.constant 0 : index
        %swap3A_249 = tpu.vector_load %arg22[%swap3A] {strides = array<i32>} : memref<16xf32, #tpu.memory_space<vmem>>, vector<16xf32>,
        tpu.vector_store %arg22[%swap3A], %broadcast_in_dim3A_248 {strides = array<i32>} : memref<16xf32, #tpu.memory_space<vmem>>, vector<16xf32>,
        "tpu.region"() ({
          %run_scoped3A = tpu.sem_alloc : memref<!tpu.dma_semaphore, #tpu.memory_space<semaphore_mem>>
          tpu.enqueue_dma source(%arg22 : memref<16xf32, #tpu.memory_space<vmem>>) target(%arg12 : memref<16xf32, #tpu.memory_space<hbm>>) target_semaphore(%run_scoped3A : memref<!tpu.dma_semaphore, #tpu.memory_space<semaphore_mem>>)
          tpu.wait_dma2 semaphore(%run_scoped3A : memref<!tpu.dma_semaphore, #tpu.memory_space<semaphore_mem>>) src(%arg22 : memref<16xf32, #tpu.memory_space<vmem>>) dst(%arg12 : memref<16xf32, #tpu.memory_space<hbm>>)
          tpu.yield
        }) : () -> ()
      } else {
      }
    } else {
    }
    return
  }
}

</mosaic_0001>

<sc_bundles>
// kernel: kernel.3.cloned.1.call-start
scs
__scs_entry_jumppad:
0x0: {  	(pc) =	sbr.rel $0x88, $3  }
0x1: {  	(tag) =	ssettag $0x0;
	lr =	simm.s32 $0x1  }
0x2: {  	[smem:$0x3F97] =	sst lr;
	_ =	strace $0xD0000000  }
0x3: {  	_ = 	snop  }
0x4: {  	_ = 	snop  }
0x5: {  	_ = 	snop  }
0x6: {  	_ = 	snop  }
0x7: {  	_ = 	snop  }
__scs_overlays_trampoline_lowered:
0x8: {  	[smem:$0x3FA6] =	sst s0  }
0x9: {  	[smem:$0x3FA7] =	sst s1  }
0xa: {  	[smem:$0x3FA8] =	sst s2  }
0xb: {  	[smem:$0x3FA9] =	sst s3  }
0xc: {  	[smem:$0x3FAA] =	sst s4  }
0xd: {  	[smem:$0x3FAB] =	sst s5  }
0xe: {  	[smem:$0x3FAC] =	sst s6  }
0xf: {  	[smem:$0x3FAD] =	sst s7  }
0x10: {  	[smem:$0x3FAE] =	sst s8  }
0x11: {  	[smem:$0x3FAF] =	sst s9;
	s0 =	simm.s32 @!p0 $0x0  }
0x12: {  	s1 =	sld [smem:$0x3F95];
	s0 =	simm.s32 @p0 $0x1  }
0x13: {  	[smem:$0x3FB0] =	sst s0;
	s0 =	simm.s32 @!p1 $0x0  }
0x14: {  	s2 =	sld [smem:$0x3F94];
	s0 =	simm.s32 @p1 $0x1  }
0x15: {  	[smem:$0x3FB1] =	sst s0;
	s0 =	simm.s32 @!p2 $0x0  }
0x16: {  	s3 =	sld [smem:$0x3FDB];
	s0 =	simm.s32 @p2 $0x1  }
0x17: {  	s4 =	simm.s32 $0x1BF5;
	[smem:$0x3FB3] =	sst s0  }
0x18: {  	s0 =	sld [smem:$0x3F96];
	_ =	swait.ge [sflag:s4], $0x0  }
0x19: {  	s7 =	sld [smem:$0x3F97]  }
0x1a: {  	s8 =	sadd.s32 $0xFFFFE003, lr  }
0x1b: {  	s9 =	sadd.s32 $0xFFFFFEF7, lr;
	s5 =	simm.s32 $0xFFFFFFFF;
	p2 =	slt.u32 s8, $0xFFFFF086  }
0x1c: {  	p1 =	slt.u32 s9, $0xF7A;
	s5 =	simm.s32 @!p2 $0x0  }
0x1d: {  	s5 =	simm.s32 @p1 $0x1;
	p0 =	seq.s32 s7, s2  }
0x1e: {  	s7 =	smul.u32 @!p0 $0xF7A, s2;
	p2 =	seq.s32 @!p0 s5, $0x0  }
0x1f: {  	s9 =	smul.u32 $0xF7A, s1;
	s8 =	simm.s32 @!p0 $0x1BF5;
	p2 =	por !p2, p0  }
0x20: {  	[sflag:s8] =	ssyncset.s32 @!p0 $0xFFFFF086;
	s6 =	sadd.s32 @!p0 s3, s7;
	s7 =	simm.s32 @!p0 $0x108  }
0x21: {  	s3 =	sadd.s32 s3, s9;
	s6 =	sadd.s32 @!p0 $0x88, s6;
	s7 =	simm.s32 @p2 $0x1082  }
0x22: {  	[simem:s7], [sflag:s8] =	dma.local @!p0 [hbm:s6], $0xF7A  }
0x23: {  	s9 =	sor.u32 $0xD0000000, s2;
	s6 =	simm.s32 $0x108;
	_ =	swait.ge @!p0 [sflag:s8], $0x0  }
0x24: {  	s3 =	sadd.s32 $0x88, s3;
	s6 =	simm.s32 @!p1 $0x1082;
	[sflag:s4] =	ssyncset.s32 $0xFFFFF086  }
0x25: {  	[simem:s6], [sflag:s4] =	dma.local [hbm:s3], $0xF7A  }
0x26: {  	[smem:$0x3F97] =	sst s1;
	(tag) =	ssettag s2;
	_ =	strace s9  }
0x27: {  	s1 =	sld [smem:$0x3FA7]  }
0x28: {  	s2 =	sld [smem:$0x3FA8]  }
0x29: {  	s4 =	sld [smem:$0x3FAA]  }
0x2a: {  	p0 =	seq.s32 s5, $0x0;
	s5 =	sld [smem:$0x3FAB]  }
0x2b: {  	s6 =	sld [smem:$0x3FAC]  }
0x2c: {  	s7 =	sld [smem:$0x3FAD]  }
0x2d: {  	s3 =	simm.s32 $0x108;
	s8 =	sld [smem:$0x3FAE]  }
0x2e: {  	s3 =	simm.s32 @!p0 $0x1082;
	s9 =	sld [smem:$0x3FAF]  }
0x2f: {  	lr =	sadd.s32 s0, s3;
	s0 =	sld [smem:$0x3FA6]  }
0x30: {  	s3 =	sld [smem:$0x3FA9]  }
0x31: {  	[smem:$0x3FB2] =	sst s10  }
0x32: {  	s10 =	sld [smem:$0x3FB0];
	_ =	sdelay $0x3  }
0x33: {  	p0 =	seq.s32 s10, $0x1;
	s10 =	sld [smem:$0x3FB2];
	_ =	sdelay $0x3  }
0x34: {  	[smem:$0x3FB2] =	sst s10  }
0x35: {  	s10 =	sld [smem:$0x3FB1];
	_ =	sdelay $0x3  }
0x36: {  	p1 =	seq.s32 s10, $0x1;
	s10 =	sld [smem:$0x3FB2];
	_ =	sdelay $0x3  }
0x37: {  	[smem:$0x3FB2] =	sst s10  }
0x38: {  	s10 =	sld [smem:$0x3FB3]  }
0x39: {  	_ = 	snop;
	(pc) =	sbr.ind lr, $3  }
0x3a: {  	_ = 	snop  }
0x3b: {  	_ = 	snop  }
0x3c: {  	p2 =	seq.s32 s10, $0x1;
	s10 =	sld [smem:$0x3FB2]  }
0x3d: {  	_ =	shalt  }
0x3e: {  	_ =	shalt  }
0x3f: {  	_ =	shalt  }
0x40: {  	_ =	shalt  }
0x41: {  	_ =	shalt  }
0x42: {  	_ =	shalt  }
0x43: {  	_ =	shalt  }
0x44: {  	_ =	shalt  }
0x45: {  	_ =	shalt  }
0x46: {  	_ =	shalt  }
0x47: {  	_ =	shalt  }
0x48: {  	_ =	shalt  }
0x49: {  	_ =	shalt  }
0x4a: {  	_ =	shalt  }
0x4b: {  	_ =	shalt  }
0x4c: {  	_ =	shalt  }
0x4d: {  	_ =	shalt  }
0x4e: {  	_ =	shalt  }
0x4f: {  	_ =	shalt  }
0x50: {  	_ =	shalt  }
0x51: {  	_ =	shalt  }
0x52: {  	_ =	shalt  }
0x53: {  	_ =	shalt  }
0x54: {  	_ =	shalt  }
0x55: {  	_ =	shalt  }
0x56: {  	_ =	shalt  }
0x57: {  	_ =	shalt  }
0x58: {  	_ =	shalt  }
0x59: {  	_ =	shalt  }
0x5a: {  	_ =	shalt  }
0x5b: {  	_ =	shalt  }
0x5c: {  	_ =	shalt  }
0x5d: {  	_ =	shalt  }
0x5e: {  	_ =	shalt  }
0x5f: {  	_ =	shalt  }
0x60: {  	_ =	shalt  }
0x61: {  	_ =	shalt  }
0x62: {  	_ =	shalt  }
0x63: {  	_ =	shalt  }
0x64: {  	_ =	shalt  }
0x65: {  	_ =	shalt  }
0x66: {  	_ =	shalt  }
0x67: {  	_ =	shalt  }
0x68: {  	_ =	shalt  }
0x69: {  	_ =	shalt  }
0x6a: {  	_ =	shalt  }
0x6b: {  	_ =	shalt  }
0x6c: {  	_ =	shalt  }
0x6d: {  	_ =	shalt  }
0x6e: {  	_ =	shalt  }
0x6f: {  	_ =	shalt  }
0x70: {  	_ =	shalt  }
0x71: {  	_ =	shalt  }
0x72: {  	_ =	shalt  }
0x73: {  	_ =	shalt  }
0x74: {  	_ =	shalt  }
0x75: {  	_ =	shalt  }
0x76: {  	_ =	shalt  }
0x77: {  	_ =	shalt  }
0x78: {  	_ =	shalt  }
0x79: {  	_ =	shalt  }
0x7a: {  	_ =	shalt  }
0x7b: {  	_ =	shalt  }
0x7c: {  	_ =	shalt  }
0x7d: {  	_ =	shalt  }
0x7e: {  	_ =	shalt  }
0x7f: {  	_ =	shalt  }
0x80: {  	_ =	shalt  }
0x81: {  	_ =	shalt  }
0x82: {  	_ =	shalt  }
0x83: {  	_ =	shalt  }
0x84: {  	_ =	shalt  }
0x85: {  	_ =	shalt  }
0x86: {  	_ =	shalt  }
0x87: {  	_ =	shalt  }
.Lfunc_end0:
.L_simem_size_0:
called_computation_lowered:
.L_overlay_start_0:
0x88: {  	s0 =	sld [smem:$0x3FD9]  }
0x89: {  	s1 =	sld [smem:$0x3FFE];
	_ =	sdelay $0x3  }
0x8a: {  	s0 =	sadd.s32 s1, s0  }
0x8b: {  	[smem:$0x3FBE] =	sst s0  }
0x8c: {  	_ = 	snop  }
0x8d: {  	s0 =	sld [smem:$0x3FC9]  }
0x8e: {  	s17 =	sld [smem:$0x3FC8]  }
0x8f: {  	s2 =	sld [smem:$0x3FC7]  }
0x90: {  	s3 =	sld [smem:$0x3FC6]  }
0x91: {  	s4 =	sld [smem:$0x3FC5]  }
0x92: {  	s5 =	sld [smem:$0x3FC4]  }
0x93: {  	s6 =	sld [smem:$0x3FC3]  }
0x94: {  	s7 =	sld [smem:$0x3FC2]  }
0x95: {  	s8 =	sld [smem:$0x3FC1]  }
0x96: {  	s9 =	sld [smem:$0x3FC0]  }
0x97: {  	s10 =	sld [smem:$0x3FD0];
	(tm) =	ssettm $0x1  }
0x98: {  	s11 =	sld [smem:$0x3FFB];
	_ =	sdelay $0x3  }
0x99: {  	_ =	strace s11  }
0x9a: {  	s11 =	sld [smem:$0x3FFC];
	_ =	sdelay $0x3  }
0x9b: {  	_ =	strace s11  }
0x9c: {  	s11 =	sld [smem:$0x3FFD];
	_ =	sdelay $0x3  }
0x9d: {  	_ =	strace s11  }
0x9e: {  	_ =	strace $0x8FFFFFFF  }
0x9f: {  	s18 =	sld [smem:$0x3FDB];
	_ =	sdelay $0x1  }
0xa0: {  	s12 =	simm.s32 $_scs_section_size  }
0xa1: {  	s13 =	simm.s32 $_size__tile_overlayer_lowered;
	s14 =	simm.s32 $_tile_overlayer_lowered  }
0xa2: {  	s21 =	simm.s32 $0x1BFF;
	s20 =	sshll.u32 s14, $0x1;
	s11 =	sadd.s32 s12, s18  }
0xa3: {  	s15 =	simm.s32 $0x0;
	s19 =	sshll.u32 s13, $0x1;
	s13 =	sadd.s32 s20, s11  }
0xa4: {  	[timem:s15], [sflag:s21] =	dma.local [hbm:s13], s19  }
0xa5: {  	_ =	swait.ge [sflag:s21], s19  }
0xa6: {  	s12 =	ssub.s32 $0x0, s19;
	[sflag:s21] =	ssyncset.done $0x0  }
0xa7: {  	[sflag:s21] =	ssyncadd.s32 s12;
	_ =	sdelay $0x1  }
0xa8: {  	s22 =	simm.s32 $0x1B8B  }
0xa9: {  	_ =	swait.ge [sflag:s22], $0x1  }
0xaa: {  	[sflag:s22] =	ssyncset.done $0x0  }
0xab: {  	s23 =	simm.s32 $0x1B8E;
	[sflag:s22] =	ssyncadd.s32 $0xFFFFFFFF  }
0xac: {  	s24 =	simm.s32 $execute0_lowered;
	[smem:$0x3FD2] =	sst s23  }
0xad: {  	s12 =	sshll.u32 s24, $0x1;
	_ =	strace $0x80000046;
	[dreg:$0x1] =	wrdreg $0xFFFFFFFF  }
0xae: {  	s25 =	simm.s32 $_size_execute0_lowered;
	s11 =	sadd.s32 s11, s12;
	[dreg:$0x0] =	wrdreg $0x0  }
0xaf: {  	s12 =	sshll.u32 s25, $0x1;
	[dreg:$0x2] =	wrdreg s11  }
0xb0: {  	[dreg:$0x3] =	wrdreg s12  }
0xb1: {  	[dreg:$0x4] =	wrdreg $0xC0  }
0xb2: {  	_ =	task [dreg:s15], $0x5FFFF  }
0xb3: {  	[dreg:$0x1] =	wrdreg $0xFFFFFFFF  }
0xb4: {  	[dreg:$0x0] =	wrdreg $0x60  }
0xb5: {  	[dreg:$0x2] =	wrdreg s0  }
0xb6: {  	[dreg:$0x3] =	wrdreg s17  }
0xb7: {  	[dreg:$0x4] =	wrdreg s2  }
0xb8: {  	[dreg:$0x5] =	wrdreg s3  }
0xb9: {  	[dreg:$0x6] =	wrdreg s4  }
0xba: {  	[dreg:$0x7] =	wrdreg s5  }
0xbb: {  	[dreg:$0x8] =	wrdreg s6  }
0xbc: {  	[dreg:$0x9] =	wrdreg s7  }
0xbd: {  	[dreg:$0xa] =	wrdreg s8  }
0xbe: {  	[dreg:$0xb] =	wrdreg s9  }
0xbf: {  	[dreg:$0xc] =	wrdreg s10  }
0xc0: {  	[dreg:$0xd] =	wrdreg $0xE3800  }
0xc1: {  	[dreg:$0xe] =	wrdreg $0x9  }
0xc2: {  	_ =	task.clear_ibuf [dreg:s15], $0xFFFFF;
	_ =	strace $0x90000046  }
0xc3: {  	s26 =	simm.s32 $0x9;
	_ =	strace $0x80000048  }
0xc4: {  	_ =	swait.ge [sflag:s26], $0x1  }
0xc5: {  	[sflag:s26] =	ssyncadd.s32 $0xFFFFFFFF  }
0xc6: {  	_ =	strace $0x90000048  }
0xc7: {  	_ =	sfence  }
0xc8: {  	s28 =	sld [smem:$0x0];
	_ =	sdelay $0x1  }
0xc9: {  	s29 =	srdreg.scid  }
0xca: {  	s30 =	sshll.u32 s29, $0xD;
	s31 =	sshrl.u32 s29, $0x2  }
0xcb: {  	s1 =	sand.u32 $0x1, s29;
	s2 =	sand.u32 $0x4000, s30;
	s0 =	sadd.s32 s31, s28  }
0xcc: {  	s1 =	sor.u32 s2, s1;
	s0 =	sshll.u32 s0, $0x11  }
0xcd: {  	s0 =	sor.u32 s0, s1  }
0xce: {  	s0 =	sadd.s32 $0x8F2B, s0  }
0xcf: {  	[sflag:s0] =	ssyncadd.remote.s32 $0x1  }
0xd0: {  	_ =	sfence.sel $0xFFFF  }
0xd1: {  	[dreg:$0x0] =	wrdreg $0xFFFFFFFF;
	(pc) =	sbr.abs _section_cstart, $3  }
0xd2: {  	[dreg:$0x1] =	wrdreg $0xFFFFFFFF  }
0xd3: {  	_ =	task.clear_ibuf [dreg:s15], $0x2FFFF;
	_ =	strace $0x9FFFFFFF  }
0xd4: {  	(tm) =	ssettm $0x7FFFFFFF  }
0xd5: {  	_ =	shalt  }
tec
execute0_lowered:
.L_overlay_start_1:
0x0: {  	(tag) =	ssettag $0x1  }
0x1: {  	s7 =	rddreg [dreg:$0x0]  }
0x2: {  	s9 =	rddreg [dreg:$0x1]  }
0x3: {  	s8 =	rddreg [dreg:$0x2]  }
0x4: {  	s6 =	rddreg [dreg:$0x3]  }
0x5: {  	s11 =	rddreg [dreg:$0x4]  }
0x6: {  	s5 =	rddreg [dreg:$0x5]  }
0x7: {  	s13 =	rddreg [dreg:$0x6]  }
0x8: {  	s17 =	rddreg [dreg:$0x7]  }
0x9: {  	s12 =	rddreg [dreg:$0x8]  }
0xa: {  	s10 =	rddreg [dreg:$0x9];
	s1 =	stileid.u32  }
0xb: {  	s3 =	rddreg [dreg:$0xb];
	s4 =	simm.s32 $0x0;
	s14 =	smul.u32 $0xD, s1  }
0xc: {  	v0 =	vlaneseq.u32;
	[smem:$0x7FF] =	sst s4  }
0xd: {  	s0 =	rddreg [dreg:$0xc];
	_ =	strace $0x80000047;
	v1 =	vadd.s32 s14, v0  }
0xe: {  	[tilespmem:s4], [sflag:$0x2] =	stream.linear.gather [hbm4b:s8+s4], $0x100, $0x38;
	v1 =	vmin.u32 v1, $0xC7;
	[tilespmem:$0xF058] =	vst v63  }
0xf: {  	s14 =	simm.s32 $0x2  }
0x10: {  	_ =	swait.ge [sflag:s14], $0x100  }
0x11: {  	[sflag:s14] =	ssyncset.done $0x0  }
0x12: {  	[sflag:s14] =	ssyncadd.s32 $0xFFFFFF00  }
0x13: {  	v1 =	vld.idx.msk [tilespmem:v1+s4+$0x0], $0xffff;
	_ =	sdelay $0x4  }
0x14: {  	(v2sf) =	vpush v1, $0x0;
	_ =	sdelay $0x3  }
0x15: {  	(v2sf) =	vpush v1, $0x1;
	_ =	sdelay $0x1  }
0x16: {  	(v2sf) =	vpush v1, $0x2;
	_ =	sdelay $0x3  }
0x17: {  	(v2sf) =	vpush v1, $0x3;
	_ =	sdelay $0x4  }
0x18: {  	s28 =	spop (v2sf);
	(v2sf) =	vpush v1, $0x4;
	_ =	sdelay $0x3  }
0x19: {  	s31 =	spop (v2sf);
	(v2sf) =	vpush v1, $0x5;
	_ =	sdelay $0x1  }
0x1a: {  	s30 =	spop (v2sf);
	(v2sf) =	vpush v1, $0x6  }
0x1b: {  	s15 =	simm.s32 $0x400;
	s22 =	sand.u32 $0xFFFFF80, s28  }
0x1c: {  	s16 =	simm.s32 $0x7A1400;
	s8 =	simm.s32 $0x180;
	s18 =	sadd.s32 s17, s22  }
0x1d: {  	[tilespmem:s8], [sflag:$0x1] =	stream.strided.gather [hbm4b:s18+s15], $0x1000, s16, s15, $0x38;
	[tilespmem:$0xF058] =	vst v63  }
0x1e: {  	s23 =	sand.u32 $0xFFFFF80, s31;
	s29 =	spop (v2sf);
	(v2sf) =	vpush v1, $0x7  }
0x1f: {  	s19 =	simm.s32 $0x1180;
	s18 =	sadd.s32 s17, s23;
	s24 =	sand.u32 $0xFFFFF80, s30  }
0x20: {  	[tilespmem:s19], [sflag:$0x1] =	stream.strided.gather [hbm4b:s18+s15], $0x1000, s16, s15, $0x38;
	[tilespmem:$0xF058] =	vst v63  }
0x21: {  	s25 =	simm.s32 $0x2180;
	s26 =	sand.u32 $0xFFFFF80, s29;
	s18 =	sadd.s32 s17, s24  }
0x22: {  	[tilespmem:s25], [sflag:$0x1] =	stream.strided.gather [hbm4b:s18+s15], $0x1000, s16, s15, $0x38;
	[tilespmem:$0xF058] =	vst v63  }
0x23: {  	s18 =	sadd.s32 s17, s26;
	s26 =	spop (v2sf);
	(v2sf) =	vpush v1, $0x8;
	_ =	sdelay $0x1  }
0x24: {  	s2 =	simm.s32 $0x3180  }
0x25: {  	[tilespmem:s2], [sflag:$0x1] =	stream.strided.gather [hbm4b:s18+s15], $0x1000, s16, s15, $0x38;
	[tilespmem:$0xF058] =	vst v63  }
0x26: {  	s25 =	spop (v2sf);
	(v2sf) =	vpush v1, $0x9  }
0x27: {  	s20 =	simm.s32 $0x4180;
	s19 =	sand.u32 $0xFFFFF80, s26  }
0x28: {  	s18 =	sadd.s32 s17, s19;
	s21 =	sand.u32 $0xFFFFF80, s25;
	s24 =	spop (v2sf)  }
0x29: {  	(v2sf) =	vpush v1, $0xA;
	[tilespmem:s20], [sflag:$0x1] =	stream.strided.gather [hbm4b:s18+s15], $0x1000, s16, s15, $0x38;
	[tilespmem:$0xF058] =	vst v63  }
0x2a: {  	s22 =	simm.s32 $0x5180;
	s18 =	sadd.s32 s17, s21;
	s23 =	sand.u32 $0xFFFFF80, s24  }
0x2b: {  	[tilespmem:s22], [sflag:$0x1] =	stream.strided.gather [hbm4b:s18+s15], $0x1000, s16, s15, $0x38;
	[tilespmem:$0xF058] =	vst v63  }
0x2c: {  	s18 =	sadd.s32 s17, s23;
	s23 =	spop (v2sf);
	(v2sf) =	vpush v1, $0xB;
	_ =	sdelay $0x2  }
0x2d: {  	s2 =	simm.s32 $0x6180  }
0x2e: {  	[tilespmem:s2], [sflag:$0x1] =	stream.strided.gather [hbm4b:s18+s15], $0x1000, s16, s15, $0x38;
	[tilespmem:$0xF058] =	vst v63  }
0x2f: {  	s19 =	sand.u32 $0xFFFFF80, s23;
	s22 =	spop (v2sf);
	(v2sf) =	vpush v1, $0xC  }
0x30: {  	s20 =	simm.s32 $0x7180;
	s18 =	sadd.s32 s17, s19  }
0x31: {  	[tilespmem:s20], [sflag:$0x1] =	stream.strided.gather [hbm4b:s18+s15], $0x1000, s16, s15, $0x38;
	[tilespmem:$0xF058] =	vst v63  }
0x32: {  	s21 =	sand.u32 $0xFFFFF80, s22  }
0x33: {  	s2 =	simm.s32 $0x8180;
	s18 =	sadd.s32 s17, s21;
	s21 =	spop (v2sf)  }
0x34: {  	[tilespmem:s2], [sflag:$0x1] =	stream.strided.gather [hbm4b:s18+s15], $0x1000, s16, s15, $0x38;
	[tilespmem:$0xF058] =	vst v63  }
0x35: {  	s20 =	sand.u32 $0xFFFFF80, s21  }
0x36: {  	s2 =	simm.s32 $0x9180;
	s18 =	sadd.s32 s17, s20;
	s20 =	spop (v2sf)  }
0x37: {  	[tilespmem:s2], [sflag:$0x1] =	stream.strided.gather [hbm4b:s18+s15], $0x1000, s16, s15, $0x38;
	[tilespmem:$0xF058] =	vst v63  }
0x38: {  	s19 =	sand.u32 $0xFFFFF80, s20  }
0x39: {  	s2 =	simm.s32 $0xA180;
	s18 =	sadd.s32 s17, s19;
	s19 =	spop (v2sf)  }
0x3a: {  	[tilespmem:s2], [sflag:$0x1] =	stream.strided.gather [hbm4b:s18+s15], $0x1000, s16, s15, $0x38;
	[tilespmem:$0xF058] =	vst v63  }
0x3b: {  	s2 =	sand.u32 $0xFFFFF80, s19  }
0x3c: {  	s18 =	sadd.s32 s17, s2;
	s2 =	simm.s32 $0xB180  }
0x3d: {  	[tilespmem:s2], [sflag:$0x1] =	stream.strided.gather [hbm4b:s18+s15], $0x1000, s16, s15, $0x38;
	[tilespmem:$0xF058] =	vst v63  }
0x3e: {  	s18 =	spop (v2sf)  }
0x3f: {  	s2 =	sand.u32 $0xFFFFF80, s18  }
0x40: {  	s2 =	sadd.s32 s17, s2;
	s17 =	simm.s32 $0xC180  }
0x41: {  	[tilespmem:s17], [sflag:$0x1] =	stream.strided.gather [hbm4b:s2+s15], $0x1000, s16, s15, $0x38;
	[tilespmem:$0xF058] =	vst v63  }
0x42: {  	s17 =	simm.s32 $0x1  }
0x43: {  	_ =	swait.ge [sflag:s17], $0x1000  }
0x44: {  	[sflag:s17] =	ssyncset.done $0x0  }
0x45: {  	[sflag:s17] =	ssyncadd.s32 $0xFFFFF000  }
0x46: {  	_ =	swait.ge [sflag:s17], $0x1000  }
0x47: {  	[sflag:s17] =	ssyncset.done $0x0  }
0x48: {  	[sflag:s17] =	ssyncadd.s32 $0xFFFFF000  }
0x49: {  	_ =	swait.ge [sflag:s17], $0x1000  }
0x4a: {  	[sflag:s17] =	ssyncset.done $0x0  }
0x4b: {  	[sflag:s17] =	ssyncadd.s32 $0xFFFFF000  }
0x4c: {  	_ =	swait.ge [sflag:s17], $0x1000  }
0x4d: {  	[sflag:s17] =	ssyncset.done $0x0  }
0x4e: {  	[sflag:s17] =	ssyncadd.s32 $0xFFFFF000  }
0x4f: {  	_ =	swait.ge [sflag:s17], $0x1000  }
0x50: {  	[sflag:s17] =	ssyncset.done $0x0  }
0x51: {  	[sflag:s17] =	ssyncadd.s32 $0xFFFFF000  }
0x52: {  	_ =	swait.ge [sflag:s17], $0x1000  }
0x53: {  	[sflag:s17] =	ssyncset.done $0x0  }
0x54: {  	[sflag:s17] =	ssyncadd.s32 $0xFFFFF000  }
0x55: {  	_ =	swait.ge [sflag:s17], $0x1000  }
0x56: {  	[sflag:s17] =	ssyncset.done $0x0  }
0x57: {  	[sflag:s17] =	ssyncadd.s32 $0xFFFFF000  }
0x58: {  	_ =	swait.ge [sflag:s17], $0x1000  }
0x59: {  	[sflag:s17] =	ssyncset.done $0x0  }
0x5a: {  	[sflag:s17] =	ssyncadd.s32 $0xFFFFF000  }
0x5b: {  	_ =	swait.ge [sflag:s17], $0x1000  }
0x5c: {  	[sflag:s17] =	ssyncset.done $0x0  }
0x5d: {  	[sflag:s17] =	ssyncadd.s32 $0xFFFFF000  }
0x5e: {  	_ =	swait.ge [sflag:s17], $0x1000  }
0x5f: {  	[sflag:s17] =	ssyncset.done $0x0  }
0x60: {  	[sflag:s17] =	ssyncadd.s32 $0xFFFFF000  }
0x61: {  	_ =	swait.ge [sflag:s17], $0x1000  }
0x62: {  	[sflag:s17] =	ssyncset.done $0x0  }
0x63: {  	v1 =	vmul.u32 $0x80, v0;
	[sflag:s17] =	ssyncadd.s32 $0xFFFFF000  }
0x64: {  	s28 =	sand.u32 $0x7F, s28;
	_ =	swait.ge [sflag:s17], $0x1000  }
0x65: {  	v2 =	vor.u32 s28, v1;
	v3 =	vor.u32 $0x800, v1;
	[sflag:s17] =	ssyncset.done $0x0  }
0x66: {  	s31 =	sand.u32 $0x7F, s31;
	v4 =	vor.u32 $0x1000, v1;
	v3 =	vor.u32 s28, v3;
	[sflag:s17] =	ssyncadd.s32 $0xFFFFF000  }
0x67: {  	v5 =	vor.u32 $0x1800, v1;
	v4 =	vor.u32 s31, v4;
	_ =	swait.ge [sflag:s17], $0x1000  }
0x68: {  	v6 =	vor.u32 $0x2000, v1;
	v5 =	vor.u32 s31, v5;
	s28 =	sand.u32 $0x7F, s30;
	[sflag:s17] =	ssyncset.done $0x0  }
0x69: {  	v7 =	vor.u32 $0x2800, v1;
	v6 =	vor.u32 s28, v6;
	[sflag:s17] =	ssyncadd.s32 $0xFFFFF000  }
0x6a: {  	s29 =	sand.u32 $0x7F, s29;
	v8 =	vor.u32 $0x3000, v1;
	v7 =	vor.u32 s28, v7;
	v2 =	vld.idx.msk [tilespmem:v2+s8+$0x0], $0xffff  }
0x6b: {  	v9 =	vor.u32 $0x3800, v1;
	v8 =	vor.u32 s29, v8;
	v3 =	vld.idx.msk [tilespmem:v3+s8+$0x0], $0xffff  }
0x6c: {  	v10 =	vor.u32 $0x4000, v1;
	v9 =	vor.u32 s29, v9;
	s30 =	sand.u32 $0x7F, s26;
	v4 =	vld.idx.msk [tilespmem:v4+s8+$0x0], $0xffff  }
0x6d: {  	v11 =	vor.u32 $0x4800, v1;
	v10 =	vor.u32 s30, v10;
	v5 =	vld.idx.msk [tilespmem:v5+s8+$0x0], $0xffff  }
0x6e: {  	v12 =	vor.u32 $0x5000, v1;
	v13 =	vor.u32 $0x5800, v1;
	s31 =	sand.u32 $0x7F, s25;
	v11 =	vor.u32 s30, v11;
	v6 =	vld.idx.msk [tilespmem:v6+s8+$0x0], $0xffff  }
0x6f: {  	v14 =	vor.u32 $0x6000, v1;
	v15 =	vor.u32 $0x6800, v1;
	v12 =	vor.u32 s31, v12;
	v7 =	vld.idx.msk [tilespmem:v7+s8+$0x0], $0xffff  }
0x70: {  	s24 =	sand.u32 $0x7F, s24;
	v27 =	vor.u32 $0x7000, v1;
	v28 =	vor.u32 $0x7800, v1;
	v13 =	vor.u32 s31, v13;
	v8 =	vld.idx.msk [tilespmem:v8+s8+$0x0], $0xffff  }
0x71: {  	v14 =	vor.u32 s24, v14;
	v9 =	vld.idx.msk [tilespmem:v9+s8+$0x0], $0xffff;
	v2 =	vadd.f32 $0.0e+00, v2;
	v3 =	vadd.f32 $0.0e+00, v3  }
0x72: {  	v31 =	vor.u32 $0x8000, v1;
	v32 =	vor.u32 $0x8800, v1;
	v15 =	vor.u32 s24, v15;
	v25 =	vld.idx.msk [tilespmem:v10+s8+$0x0], $0xffff  }
0x73: {  	v34 =	vor.u32 $0x9000, v1;
	s25 =	sand.u32 $0x7F, s23;
	v26 =	vld.idx.msk [tilespmem:v11+s8+$0x0], $0xffff;
	v2 =	vadd.f32 v4, v2;
	v3 =	vadd.f32 v5, v3  }
0x74: {  	v35 =	vor.u32 $0x9800, v1;
	v38 =	vor.u32 $0xA000, v1;
	v11 =	vor.u32 s25, v28;
	v29 =	vld.idx.msk [tilespmem:v12+s8+$0x0], $0xffff  }
0x75: {  	s26 =	sand.u32 $0x7F, s22;
	v10 =	vor.u32 s25, v27;
	v30 =	vld.idx.msk [tilespmem:v13+s8+$0x0], $0xffff;
	v2 =	vadd.f32 v6, v2;
	v3 =	vadd.f32 v7, v3  }
0x76: {  	v40 =	vor.u32 $0xA800, v1;
	v42 =	vor.u32 $0xB000, v1;
	v13 =	vor.u32 s26, v32;
	v33 =	vld.idx.msk [tilespmem:v14+s8+$0x0], $0xffff  }
0x77: {  	s28 =	sand.u32 $0x7F, s21;
	v12 =	vor.u32 s26, v31;
	v36 =	vld.idx.msk [tilespmem:v15+s8+$0x0], $0xffff;
	v2 =	vadd.f32 v8, v2;
	v3 =	vadd.f32 v9, v3  }
0x78: {  	v44 =	vor.u32 $0xB800, v1;
	v48 =	vor.u32 $0xC800, v1;
	v14 =	vor.u32 s28, v35  }
0x79: {  	p0 =	seq.s32 s1, $0xF;
	s29 =	sand.u32 $0x7F, s20;
	v11 =	vld.idx.msk [tilespmem:v11+s8+$0x0], $0xffff;
	v9 =	vor.u32 s28, v34;
	v2 =	vadd.f32 v25, v2;
	v3 =	vadd.f32 v26, v3  }
0x7a: {  	v37 =	vpsel p0, $0x0, v29;
	v39 =	vld.idx.msk [tilespmem:v10+s8+$0x0], $0xffff;
	v10 =	vor.u32 s29, v40;
	v7 =	vpsel p0, $0x0, v30  }
0x7b: {  	s30 =	sand.u32 $0x7F, s19;
	v43 =	vld.idx.msk [tilespmem:v13+s8+$0x0], $0xffff;
	v6 =	vor.u32 s29, v38;
	v2 =	vadd.f32 v37, v2;
	v3 =	vadd.f32 v7, v3  }
0x7c: {  	v46 =	vor.u32 s30, v44;
	v41 =	vld.idx.msk [tilespmem:v12+s8+$0x0], $0xffff;
	v4 =	vpsel p0, $0x0, v36;
	v8 =	vpsel p0, $0x0, v33  }
0x7d: {  	s18 =	sand.u32 $0x7F, s18;
	v14 =	vld.idx.msk [tilespmem:v14+s8+$0x0], $0xffff;
	v2 =	vadd.f32 v8, v2;
	v8 =	vor.u32 s30, v42;
	v3 =	vadd.f32 v4, v3  }
0x7e: {  	v47 =	vor.u32 $0xC000, v1;
	v50 =	vor.u32 s18, v48;
	v49 =	vpsel p0, $0x0, v11;
	v45 =	vld.idx.msk [tilespmem:v9+s8+$0x0], $0xffff  }
0x7f: {  	v13 =	vor.u32 s18, v47;
	v5 =	vpsel p0, $0x0, v39;
	v52 =	vld.idx.msk [tilespmem:v10+s8+$0x0], $0xffff;
	v3 =	vadd.f32 v49, v3  }
0x80: {  	v53 =	vpsel p0, $0x0, v43;
	v6 =	vld.idx.msk [tilespmem:v6+s8+$0x0], $0xffff;
	v2 =	vadd.f32 v5, v2  }
0x81: {  	v54 =	vld.idx.msk [tilespmem:v46+s8+$0x0], $0xffff;
	v51 =	vpsel p0, $0x0, v41;
	v3 =	vadd.f32 v53, v3  }
0x82: {  	v55 =	vpsel p0, $0x0, v14;
	v2 =	vadd.f32 v51, v2;
	v8 =	vld.idx.msk [tilespmem:v8+s8+$0x0], $0xffff  }
0x83: {  	v58 =	vld.idx.msk [tilespmem:v50+s8+$0x0], $0xffff;
	v4 =	vpsel p0, $0x0, v45;
	v3 =	vadd.f32 v55, v3  }
0x84: {  	v56 =	vld.idx.msk [tilespmem:v13+s8+$0x0], $0xffff;
	v59 =	vpsel p0, $0x0, v52;
	v2 =	vadd.f32 v4, v2  }
0x85: {  	v57 =	vpsel p0, $0x0, v6;
	v3 =	vadd.f32 v59, v3  }
0x86: {  	v61 =	vpsel p0, $0x0, v54;
	v2 =	vadd.f32 v57, v2  }
0x87: {  	v60 =	vpsel p0, $0x0, v8;
	v3 =	vadd.f32 v61, v3  }
0x88: {  	v63 =	vpsel p0, $0x0, v58;
	v2 =	vadd.f32 v60, v2  }
0x89: {  	v62 =	vpsel p0, $0x0, v56;
	v3 =	vadd.f32 v63, v3  }
0x8a: {  	v2 =	vadd.f32 v62, v2  }
0x8b: {  	s31 =	sshll.u32 s1, $0x7;
	s19 =	simm.s32 $0xE200;
	p0 =	seq.s32 s1, $0xE;
	[tilespmem:$0xE220] =	vst v3  }
.Ltmp0:
0x8c: {  	s2 =	sadd.s32 s31, s3;
	s18 =	simm.s32 $0x5;
	[tilespmem:$0xE210] =	vst v2;
	(pc) =	sbr.rel @p0 .LBB2_1-.Ltmp0, $4  }
0x8d: {  	[spmem:s2] =	stream.linear.scatter [tilespmem:s19], [sflag:$0x5], $0x80, $0x38;
	[tilespmem:$0xF058] =	vst v63  }
0x8e: {  	_ =	swait.ge [sflag:s18], $0x80  }
0x8f: {  	[sflag:s18] =	ssyncset.done $0x0  }
0x90: {  	[sflag:s18] =	ssyncadd.s32 $0xFFFFFF80  }
0x91: {  	p0 =	sne.s32 s1, $0xF  }
.Ltmp1:
0x92: {  	_ = 	snop;
	(pc) =	sbr.rel @p0 .LBB2_5-.Ltmp1, $1  }
0x93: {  	_ =	sdelay $0x3  }
.Ltmp2:
0x94: {  	(pc) =	sbr.rel .LBB2_4-.Ltmp2, $3  }
0x95: {  	_ =	sdelay $0x1  }
0x96: {  	s10 =	simm.s32 $0x2400;
	s2 =	simm.s32 $0x2800  }
0x97: {  	s7 =	smov.u32 s9;
	s6 =	smov.u32 s11;
	s5 =	smov.u32 s13  }
.LBB2_1:
0x98: {  	s10 =	simm.s32 $0x2200;
	s2 =	simm.s32 $0x2600  }
.LBB2_4:
0x99: {  	s9 =	simm.s32 $0x100  }
0x9a: {  	[tilespmem:s9], [sflag:$0x2] =	stream.linear.gather [hbm4b:s7+s4], $0x1, $0x38;
	[tilespmem:$0xF058] =	vst v63  }
0x9b: {  	_ =	swait.ge [sflag:s14], $0x1  }
0x9c: {  	[sflag:s14] =	ssyncset.done $0x0  }
0x9d: {  	[sflag:s14] =	ssyncadd.s32 $0xFFFFFFFF  }
0x9e: {  	v2 =	vld [tilespmem:$0x100];
	_ =	sdelay $0x4  }
0x9f: {  	(v2sf) =	vpush v2, $0x0;
	_ =	sdelay $0xe  }
0xa0: {  	s22 =	spop (v2sf)  }
0xa1: {  	s23 =	sand.u32 $0xFFFFF80, s22  }
0xa2: {  	s24 =	simm.s32 $0xD180;
	s25 =	sshrl.u32 s22, $0x3;
	s6 =	sadd.s32 s6, s23  }
0xa3: {  	[tilespmem:s24], [sflag:$0x1] =	stream.strided.gather [hbm4b:s6+s15], $0x1000, s16, s15, $0x38;
	[tilespmem:$0xF058] =	vst v63  }
0xa4: {  	s6 =	sand.u32 $0x1FFFFFFE, s25  }
0xa5: {  	s26 =	simm.s32 $0xE180;
	s5 =	sadd.s32 s5, s6  }
0xa6: {  	[tilespmem:s26], [sflag:$0x4] =	stream.linear.gather [hbm4b:s5+s4], $0x10, $0x38;
	[tilespmem:$0xF058] =	vst v63  }
0xa7: {  	v59 =	vor.u32 $0xD000, v1;
	s28 =	sand.u32 $0x7F, s22;
	_ =	swait.ge [sflag:s17], $0x1000  }
0xa8: {  	v60 =	vor.u32 $0xD800, v1;
	v2 =	vor.u32 s28, v59;
	[sflag:s17] =	ssyncset.done $0x0  }
0xa9: {  	s29 =	simm.s32 $0x4;
	v1 =	vor.u32 s28, v60;
	[sflag:s17] =	ssyncadd.s32 $0xFFFFF000  }
0xaa: {  	_ =	swait.ge [sflag:s29], $0x10  }
0xab: {  	[sflag:s29] =	ssyncset.done $0x0  }
0xac: {  	[sflag:s29] =	ssyncadd.s32 $0xFFFFFFF0  }
0xad: {  	v2 =	vld.idx.msk [tilespmem:v2+s8+$0x0], $0xffff  }
0xae: {  	v1 =	vld.idx.msk [tilespmem:v1+s8+$0x0], $0xffff;
	_ =	sdelay $0x3  }
0xaf: {  	s30 =	sshrl.u32 s10, $0x2;
	[tilespmem:$0xE210] =	vst v2  }
0xb0: {  	s4 =	sadd.s32 s30, s3;
	[tilespmem:$0xE220] =	vst v1  }
0xb1: {  	[spmem:s4] =	stream.linear.scatter [tilespmem:s19], [sflag:$0x5], $0x80, $0x38;
	[tilespmem:$0xF058] =	vst v63  }
0xb2: {  	_ =	swait.ge [sflag:s18], $0x80  }
0xb3: {  	[sflag:s18] =	ssyncset.done $0x0  }
0xb4: {  	[sflag:s18] =	ssyncadd.s32 $0xFFFFFF80  }
0xb5: {  	v61 =	vld [tilespmem:$0xE180];
	_ =	sdelay $0x1  }
0xb6: {  	s31 =	sand.u32 $0xF, s22  }
0xb7: {  	v62 =	vmov s31  }
0xb8: {  	v63 =	vimm.f32 $0.0e+00;
	vm0 =	veq.s32 v62, v0  }
0xb9: {  	s2 =	sshrl.u32 s2, $0x2;
	[tilespmem:$0xE220] =	vst v63;
	v0 =	vnsel vm0, $0x0, v61  }
0xba: {  	s2 =	sadd.s32 s2, s3;
	[tilespmem:$0xE210] =	vst v0  }
0xbb: {  	[spmem:s2] =	stream.linear.scatter [tilespmem:s19], [sflag:$0x5], $0x80, $0x38;
	[tilespmem:$0xF058] =	vst v63  }
.Ltmp3:
0xbc: {  	_ =	swait.ge [sflag:s18], $0x80;
	(pc) =	sbr.rel .LBB2_7-.Ltmp3, $3  }
0xbd: {  	[sflag:s18] =	ssyncset.done $0x0  }
0xbe: {  	[sflag:s18] =	ssyncadd.s32 $0xFFFFFF80  }
0xbf: {  	[bflag:$0x0] =	sbarrier.arrive $0xFFFF;
	_ =	sdelay $0x1  }
.LBB2_5:
0xc0: {  	p0 =	sne.s32 s1, $0x0  }
.Ltmp4:
0xc1: {  	_ = 	snop;
	(pc) =	sbr.rel @p0 .LBB2_7-.Ltmp4, $2  }
0xc2: {  	_ =	sdelay $0x1  }
0xc3: {  	[bflag:$0x0] =	sbarrier.arrive $0xFFFF;
	_ =	sdelay $0x1  }
0xc4: {  	s4 =	simm.s32 $0x0;
	s2 =	simm.s32 $0xE280  }
0xc5: {  	[tilespmem:s2], [sflag:$0x3] =	stream.linear.gather [hbm4b:s12+s4], $0x80, $0x38;
	[tilespmem:$0xF058] =	vst v63  }
0xc6: {  	s23 =	simm.s32 $0xE300  }
0xc7: {  	[tilespmem:s23], [sflag:$0x4] =	stream.linear.gather [hbm4b:s10+s4], $0x1, $0x38;
	[tilespmem:$0xF058] =	vst v63  }
0xc8: {  	s24 =	simm.s32 $0xE3D8;
	s25 =	simm.s32 $0x5  }
0xc9: {  	[tilespmem:s24], [sflag:$0x5] =	stream.linear.gather [spmem:s3], $0xA80, $0x38;
	[tilespmem:$0xF058] =	vst v63  }
0xca: {  	_ =	swait.ge [sflag:s25], $0xA80  }
0xcb: {  	[sflag:s25] =	ssyncset.done $0x0  }
0xcc: {  	[sflag:s25] =	ssyncadd.s32 $0xFFFFF580  }
0xcd: {  	v0 =	vld [tilespmem:$0xE3E8]  }
0xce: {  	v1 =	vld [tilespmem:$0xE3F8]  }
0xcf: {  	v2 =	vld [tilespmem:$0xE468]  }
0xd0: {  	v3 =	vld [tilespmem:$0xE478]  }
0xd1: {  	v4 =	vld [tilespmem:$0xE4E8]  }
0xd2: {  	v5 =	vld [tilespmem:$0xE4F8]  }
0xd3: {  	v6 =	vld [tilespmem:$0xE568]  }
0xd4: {  	v7 =	vld [tilespmem:$0xE578]  }
0xd5: {  	v8 =	vld [tilespmem:$0xE5E8]  }
0xd6: {  	v9 =	vld [tilespmem:$0xE5F8];
	v0 =	vadd.f32 $0.0e+00, v0;
	v1 =	vadd.f32 $0.0e+00, v1  }
0xd7: {  	v10 =	vld [tilespmem:$0xE668]  }
0xd8: {  	v11 =	vld [tilespmem:$0xE678];
	v0 =	vadd.f32 v2, v0;
	v1 =	vadd.f32 v3, v1  }
0xd9: {  	v32 =	vld [tilespmem:$0xE6E8]  }
0xda: {  	v33 =	vld [tilespmem:$0xE6F8];
	v0 =	vadd.f32 v4, v0;
	v1 =	vadd.f32 v5, v1  }
0xdb: {  	v34 =	vld [tilespmem:$0xE768]  }
0xdc: {  	v35 =	vld [tilespmem:$0xE778];
	v0 =	vadd.f32 v6, v0;
	v1 =	vadd.f32 v7, v1  }
0xdd: {  	v36 =	vld [tilespmem:$0xE7E8]  }
0xde: {  	v37 =	vld [tilespmem:$0xE7F8];
	v0 =	vadd.f32 v8, v0;
	v1 =	vadd.f32 v9, v1  }
0xdf: {  	v38 =	vld [tilespmem:$0xE868]  }
0xe0: {  	v39 =	vld [tilespmem:$0xE878];
	v0 =	vadd.f32 v10, v0;
	v1 =	vadd.f32 v11, v1  }
0xe1: {  	v40 =	vld [tilespmem:$0xE8E8]  }
0xe2: {  	v41 =	vld [tilespmem:$0xE8F8];
	v0 =	vadd.f32 v32, v0;
	v1 =	vadd.f32 v33, v1  }
0xe3: {  	v42 =	vld [tilespmem:$0xE968]  }
0xe4: {  	v43 =	vld [tilespmem:$0xE978];
	v0 =	vadd.f32 v34, v0;
	v1 =	vadd.f32 v35, v1  }
0xe5: {  	v44 =	vld [tilespmem:$0xE9E8]  }
0xe6: {  	v45 =	vld [tilespmem:$0xE9F8];
	v0 =	vadd.f32 v36, v0;
	v1 =	vadd.f32 v37, v1  }
0xe7: {  	v46 =	vld [tilespmem:$0xEA68]  }
0xe8: {  	v47 =	vld [tilespmem:$0xEA78];
	v0 =	vadd.f32 v38, v0;
	v1 =	vadd.f32 v39, v1  }
0xe9: {  	v48 =	vld [tilespmem:$0xEAE8]  }
0xea: {  	v49 =	vld [tilespmem:$0xEAF8];
	v0 =	vadd.f32 v40, v0;
	v1 =	vadd.f32 v41, v1  }
0xeb: {  	s26 =	simm.s32 $0x3;
	v50 =	vld [tilespmem:$0xEB68]  }
0xec: {  	v51 =	vld [tilespmem:$0xEB78];
	_ =	swait.ge [sflag:s26], $0x80;
	v0 =	vadd.f32 v42, v0;
	v1 =	vadd.f32 v43, v1  }
0xed: {  	[sflag:s26] =	ssyncset.done $0x0  }
0xee: {  	s28 =	simm.s32 $0x4;
	[sflag:s26] =	ssyncadd.s32 $0xFFFFFF80;
	v0 =	vadd.f32 v44, v0;
	v1 =	vadd.f32 v45, v1  }
0xef: {  	_ =	swait.ge [sflag:s28], $0x1  }
0xf0: {  	[sflag:s28] =	ssyncset.done $0x0;
	v0 =	vadd.f32 v46, v0;
	v1 =	vadd.f32 v47, v1  }
0xf1: {  	[sflag:s28] =	ssyncadd.s32 $0xFFFFFFFF  }
0xf2: {  	v52 =	vld [tilespmem:$0xEC68];
	v0 =	vadd.f32 v48, v0;
	v1 =	vadd.f32 v49, v1  }
0xf3: {  	v53 =	vld [tilespmem:$0xEC78]  }
0xf4: {  	v54 =	vld [tilespmem:$0xECE8];
	v0 =	vadd.f32 v50, v0;
	v1 =	vadd.f32 v51, v1  }
0xf5: {  	v55 =	vld [tilespmem:$0xECF8]  }
0xf6: {  	v56 =	vld [tilespmem:$0xE280];
	v0 =	vmul.f32 $7.071068140e-02, v0;
	v1 =	vmul.f32 $7.071068140e-02, v1  }
0xf7: {  	v57 =	vld [tilespmem:$0xE290]  }
0xf8: {  	v0 =	vadd.f32 v52, v0;
	v1 =	vadd.f32 v53, v1;
	_ =	sdelay $0x1  }
0xf9: {  	v0 =	vmul.f32 v54, v0;
	v1 =	vmul.f32 v55, v1;
	_ =	sdelay $0x1  }
0xfa: {  	v58 =	vld [tilespmem:$0xED68];
	v0 =	vmul.f32 v56, v0;
	v1 =	vmul.f32 v57, v1  }
0xfb: {  	v59 =	vld [tilespmem:$0xEDE8]  }
0xfc: {  	v0 =	vadd.f32 v1, v0;
	_ =	sdelay $0x1  }
0xfd: {  	(xrf2) =	vadd.scan.msk.f32 $0xffff, v0  }
0xfe: {  	(xrf2) =	vadd.scan.msk.f32 $0xffff, v58  }
0xff: {  	(xrf2) =	vadd.scan.msk.f32 $0xffff, v59;
	_ =	sdelay $0x6  }
0x100: {  	v60 =	vld [tilespmem:$0xE300]  }
0x101: {  	v61, _, _ =	vpop (xrf2)  }
0x102: {  	v2, _, _ =	vpop (xrf2);
	(v2sf) =	vpush v61, $0xF  }
0x103: {  	(v2sf) =	vpush v2, $0xF;
	v62, _, _ =	vpop (xrf2)  }
0x104: {  	(v2sf) =	vpush v62, $0xF  }
0x105: {  	(v2sf) =	vpush v60, $0x0;
	_ =	sdelay $0xb  }
0x106: {  	s29 =	spop (v2sf)  }
0x107: {  	s5 =	spop (v2sf)  }
0x108: {  	s6 =	spop (v2sf)  }
0x109: {  	s7 =	spop (v2sf)  }
0x10a: {  	s2 =	sadd.f32 s29, s7;
	_ =	sdelay $0x1  }
0x10b: {  	s2 =	sadd.f32 $3.500000000e+00, s2;
	_ =	sdelay $0x1  }
0x10c: {  	s2 =	sadd.f32 s2, s5;
	_ =	sdelay $0x1  }
0x10d: {  	s2 =	sadd.f32 s2, s6;
	_ =	sdelay $0x1  }
0x10e: {  	v63 =	vmov s2  }
0x10f: {  	s30 =	simm.s32 $0xEFD8;
	s31 =	rddreg [dreg:$0xa];
	[tilespmem:$0xEFD8] =	vst v63  }
0x110: {  	[hbm4b:s31+s4] =	stream.linear.scatter [tilespmem:s30], [sflag:$0x5], $0x80, $0x38;
	[tilespmem:$0xF058] =	vst v63  }
0x111: {  	_ =	swait.ge [sflag:s25], $0x80  }
0x112: {  	[sflag:s25] =	ssyncset.done $0x0  }
0x113: {  	[sflag:s25] =	ssyncadd.s32 $0xFFFFFF80  }
.LBB2_7:
0x114: {  	_ =	sfence.sel $0x180000  }
0x115: {  	[bflag:$0x0] =	sbarrier.arrive $0xFFFF  }
0x116: {  	p0 =	sne.s32 s1, $0x0;
	_ =	strace $0x90000047  }
0x117: {  	s0 =	sadd.s32 @!p0 $0x100000, s0;
	[bflag:$0x2] =	sbarrier.arrive $0xFFFF  }
0x118: {  	[sflag:s0] =	ssyncadd.tile.s32 @!p0 $0x1;
	_ =	shalt  }
.Lfunc_end2:
_tile_overlayer_lowered:
.L_overlay_start_2:
0x119: {  	(tag) =	ssettag $0x2  }
0x11a: {  	s0 =	rddreg [dreg:$0x0];
	s2 =	stileid.u32  }
0x11b: {  	s1 =	rddreg [dreg:$0x1];
	p0 =	sne.s32 s2, $0x0  }
0x11c: {  	s3 =	rddreg [dreg:$0x2];
	[bflag:$0x3] =	sbarrier.arrive $0xFFFF;
	s2 =	simm.s32 @!p0 $0x1C05  }
0x11d: {  	[timem:s3], [sflag:s2] =	dma.local @!p0 [hbm:s0], s1  }
0x11e: {  	s0 =	simm.s32 @!p0 $0x5  }
0x11f: {  	_ =	swait.ge @!p0 [sflag:s0], s1  }
0x120: {  	s1 =	ssub.s32 @!p0 $0x0, s1;
	[sflag:s0] =	ssyncset.done @!p0 $0x0  }
0x121: {  	[sflag:s0] =	ssyncadd.s32 @!p0 s1  }
0x122: {  	[bflag:$0x3] =	sbarrier.arrive $0xFFFF  }
0x123: {  	_ =	shalt  }

</sc_bundles>
